<compile_context>
chip_gen: v7x
topology: tpu7x:2x2x1
jax: 0.10.2.dev20260603
libtpu: 0.0.44.dev20260713+nightly
codegen_flags: <defaults>
</compile_context>

<pallas_src>
import functools

import jax
import jax.numpy as jnp
from jax import lax
from jax.experimental import pallas as pl
from jax.experimental.pallas import tpu as pltpu
from jax.experimental.pallas import tpu_sc as plsc

N = 10000
NP = 10240
DF = 128
DC = 40
DCP = 64
E = 320000
NC = 2
NS = 16
NW = NC * NS
CHUNK = 128
CPW = 80
EP = NW * CPW * CHUNK
RPS = NP // NS
RB = 1024
GRID = NP // RB
NBUF = 4

_mesh = plsc.VectorSubcoreMesh(core_axis_name="c", subcore_axis_name="s")


@functools.partial(
    pl.kernel,
    out_type=jax.ShapeDtypeStruct((NC, NP), jnp.float32),
    mesh=_mesh,
    scratch_types=[
        pltpu.VMEM((CPW, CHUNK), jnp.int32),
        pltpu.VMEM((CHUNK,), jnp.float32),
        pltpu.VMEM((RPS,), jnp.float32),
        pltpu.VMEM_SHARED((NP,), jnp.float32),
        pltpu.SemaphoreType.DMA,
    ],
)
def _deg_kernel(dst_hbm, out_hbm, didx, ones_v, zb, acc, sem):
    cid = lax.axis_index("c")
    sid = lax.axis_index("s")
    wid = sid * NC + cid

    @pl.loop(0, CHUNK, step=16)
    def _(i):
        ones_v[pl.ds(i, 16)] = jnp.ones((16,), jnp.float32)

    @pl.loop(0, RPS, step=16)
    def _(i):
        zb[pl.ds(i, 16)] = jnp.zeros((16,), jnp.float32)

    pltpu.sync_copy(zb, acc.at[pl.ds(sid * RPS, RPS)])
    pltpu.async_copy(dst_hbm.at[wid], didx, sem).wait()
    plsc.subcore_barrier()

    @pl.loop(0, CPW)
    def _(j):
        pltpu.sync_copy(ones_v, acc.at[didx.at[j]], add=True)

    plsc.subcore_barrier()
    pltpu.sync_copy(acc.at[pl.ds(sid * RPS, RPS)],
                    out_hbm.at[cid, pl.ds(sid * RPS, RPS)])


def _make_scatter(D):

    @functools.partial(
        pl.kernel,
        out_type=jax.ShapeDtypeStruct((NC, NP, D), jnp.bfloat16),
        mesh=_mesh,
        compiler_params=pltpu.CompilerParams(use_tc_tiling_on_sc=False),
        scratch_types=[
            pltpu.VMEM((CPW, CHUNK), jnp.int32),
            pltpu.VMEM((CPW, CHUNK), jnp.int32),
            [pltpu.VMEM((CHUNK, D), jnp.bfloat16) for _ in range(NBUF)],
            pltpu.VMEM((64, D), jnp.bfloat16),
            pltpu.VMEM_SHARED((NP, D), jnp.bfloat16),
            [pltpu.SemaphoreType.DMA for _ in range(NBUF)],
            pltpu.SemaphoreType.DMA,
        ],
    )
    def _scatter(g_hbm, src_hbm, dst_hbm, out_hbm,
                 sidx, didx, bufs, zb, acc, sems, semi):
        cid = lax.axis_index("c")
        sid = lax.axis_index("s")
        wid = sid * NC + cid

        @pl.loop(0, 64)
        def _(r):
            @pl.loop(0, D, step=32)
            def _(c):
                zb[r, pl.ds(c, 32)] = jnp.zeros((32,), jnp.bfloat16)

        @pl.loop(0, RPS // 64)
        def _(t):
            pltpu.sync_copy(zb, acc.at[pl.ds(sid * RPS + t * 64, 64)])

        pltpu.async_copy(src_hbm.at[wid], sidx, semi)
        pltpu.async_copy(dst_hbm.at[wid], didx, semi)
        pltpu.make_async_copy(src_hbm.at[wid], sidx, semi).wait()
        pltpu.make_async_copy(dst_hbm.at[wid], didx, semi).wait()
        plsc.subcore_barrier()

        for k in range(NBUF):
            pltpu.async_copy(g_hbm.at[sidx.at[k]], bufs[k], sems[k])

        @pl.loop(0, CPW - NBUF, step=NBUF)
        def _(j):
            for k in range(NBUF):
                pltpu.make_async_copy(g_hbm.at[sidx.at[j + k]],
                                      bufs[k], sems[k]).wait()
                pltpu.sync_copy(bufs[k], acc.at[didx.at[j + k]], add=True)
                pltpu.async_copy(g_hbm.at[sidx.at[j + NBUF + k]],
                                 bufs[k], sems[k])

        j0 = CPW - NBUF
        for k in range(NBUF):
            pltpu.make_async_copy(g_hbm.at[sidx.at[j0 + k]],
                                  bufs[k], sems[k]).wait()
            pltpu.sync_copy(bufs[k], acc.at[didx.at[j0 + k]], add=True)

        plsc.subcore_barrier()
        pltpu.sync_copy(acc.at[pl.ds(sid * RPS, RPS)],
                        out_hbm.at[cid, pl.ds(sid * RPS, RPS)])

    return _scatter


_scatter_f = _make_scatter(DF)
_scatter_c = _make_scatter(DCP)


def _layer1_body(x_ref, w_ref, b_ref, da_ref, db_ref, g_ref, dis_ref):
    deg = da_ref[...] + db_ref[...] + 1.0
    dis = lax.rsqrt(deg)
    h = jnp.dot(x_ref[...], w_ref[...],
                preferred_element_type=jnp.float32) + b_ref[...]
    g_ref[...] = (h * dis).astype(jnp.bfloat16)
    dis_ref[...] = dis


_layer1_call = pl.pallas_call(
    _layer1_body,
    grid=(GRID,),
    in_specs=[
        pl.BlockSpec((RB, DF), lambda i: (i, 0)),
        pl.BlockSpec((DF, DF), lambda i: (0, 0)),
        pl.BlockSpec((1, DF), lambda i: (0, 0)),
        pl.BlockSpec((RB, 1), lambda i: (i, 0)),
        pl.BlockSpec((RB, 1), lambda i: (i, 0)),
    ],
    out_specs=[
        pl.BlockSpec((RB, DF), lambda i: (i, 0)),
        pl.BlockSpec((RB, 1), lambda i: (i, 0)),
    ],
    out_shape=[
        jax.ShapeDtypeStruct((NP, DF), jnp.bfloat16),
        jax.ShapeDtypeStruct((NP, 1), jnp.float32),
    ],
)


def _layer2_body(s_ref, g_ref, dis_ref, w_ref, b_ref, o_ref):
    dis = dis_ref[...]
    s1 = s_ref[0].astype(jnp.float32) + s_ref[1].astype(jnp.float32)
    agg = (s1 + g_ref[...].astype(jnp.float32)) * dis
    h = jnp.maximum(agg, 0.0)
    o_ref[...] = ((jnp.dot(h, w_ref[...], preferred_element_type=jnp.float32)
                   + b_ref[...]) * dis).astype(jnp.bfloat16)


_layer2_call = pl.pallas_call(
    _layer2_body,
    grid=(GRID,),
    in_specs=[
        pl.BlockSpec((NC, RB, DF), lambda i: (0, i, 0)),
        pl.BlockSpec((RB, DF), lambda i: (i, 0)),
        pl.BlockSpec((RB, 1), lambda i: (i, 0)),
        pl.BlockSpec((DF, DCP), lambda i: (0, 0)),
        pl.BlockSpec((1, DCP), lambda i: (0, 0)),
    ],
    out_specs=pl.BlockSpec((RB, DCP), lambda i: (i, 0)),
    out_shape=jax.ShapeDtypeStruct((NP, DCP), jnp.bfloat16),
)


def _out_body(s_ref, g_ref, dis_ref, o_ref):
    s2 = s_ref[0].astype(jnp.float32) + s_ref[1].astype(jnp.float32)
    z = (s2 + g_ref[...].astype(jnp.float32)) * dis_ref[...]
    col = lax.broadcasted_iota(jnp.int32, (RB, DCP), 1)
    mask = col < DC
    zm = jnp.where(mask, z, -jnp.inf)
    m = jnp.max(zm, axis=1, keepdims=True)
    e = jnp.where(mask, jnp.exp(zm - m), 0.0)
    lse = jnp.log(jnp.sum(e, axis=1, keepdims=True)) + m
    o_ref[...] = (z - lse)[:, :DC]


_out_call = pl.pallas_call(
    _out_body,
    grid=(GRID,),
    in_specs=[
        pl.BlockSpec((NC, RB, DCP), lambda i: (0, i, 0)),
        pl.BlockSpec((RB, DCP), lambda i: (i, 0)),
        pl.BlockSpec((RB, 1), lambda i: (i, 0)),
    ],
    out_specs=pl.BlockSpec((RB, DC), lambda i: (i, 0)),
    out_shape=jax.ShapeDtypeStruct((N, DC), jnp.float32),
)


def kernel(x, edge_index, W1, b1, W2, b2):
    src = edge_index[0].astype(jnp.int32)
    dst = edge_index[1].astype(jnp.int32)
    pad = EP - E
    src_w = jnp.concatenate(
        [src, jnp.zeros((pad,), jnp.int32)]).reshape(NW, CPW, CHUNK)
    dst_w = jnp.concatenate(
        [dst, jnp.full((pad,), N, jnp.int32)]).reshape(NW, CPW, CHUNK)

    x_p = jnp.pad(x, ((0, NP - N), (0, 0)))
    b1r = b1.reshape(1, DF)
    W2p = jnp.pad(W2, ((0, 0), (0, DCP - DC)))
    b2p = jnp.pad(b2, (0, DCP - DC)).reshape(1, DCP)

    deg2 = _deg_kernel(dst_w)
    dega = deg2[0].reshape(NP, 1)
    degb = deg2[1].reshape(NP, 1)

    g1, dis = _layer1_call(x_p, W1, b1r, dega, degb)
    s1 = _scatter_f(g1, src_w, dst_w)
    g2 = _layer2_call(s1, g1, dis, W2p, b2p)
    s2 = _scatter_c(g2, src_w, dst_w)
    return _out_call(s2, g2, dis)

# --- scband reference (transcript-rebuilt; emitter-appended) ---
"""Pipeline reference for scband-gcnlfr-66829691125869 (READ-ONLY COPY).

The authoritative reference and input builder live on the scoring server;
editing this copy changes nothing except your own understanding.
"""

import jax, jax.numpy as jnp
import numpy as np

N_NODES = 10000
NFEAT = 128
NHID = 128
NCLASS = 40
N_EDGES = 320000


def setup_inputs(seed: int = 0) -> dict:
    key = jax.random.key(seed)
    k1, k2, k3, k4, k5 = jax.random.split(key, 5)
    x = jax.random.normal(k1, (N_NODES, NFEAT), dtype=jnp.float32)
    edge_index = jax.random.randint(k2, (2, N_EDGES), 0, N_NODES, dtype=jnp.int64)
    # GCNConvLFR learned parameters (standard GCN linear transform per layer)
    W1 = jax.random.normal(k3, (NFEAT, NHID), dtype=jnp.float32) / jnp.sqrt(NFEAT)
    b1 = jnp.zeros((NHID,), dtype=jnp.float32)
    W2 = jax.random.normal(k4, (NHID, NCLASS), dtype=jnp.float32) / jnp.sqrt(NHID)
    b2 = jnp.zeros((NCLASS,), dtype=jnp.float32)
    return {"x": x, "edge_index": edge_index, "W1": W1, "b1": b1, "W2": W2, "b2": b2}


def _gcn_norm(edge_index, n_nodes):
    # add self loops, then symmetric normalization D^{-1/2} A D^{-1/2}
    loops = jnp.arange(n_nodes, dtype=edge_index.dtype)
    src = jnp.concatenate([edge_index[0], loops])
    dst = jnp.concatenate([edge_index[1], loops])
    ones = jnp.ones_like(dst, dtype=jnp.float32)
    deg = jax.ops.segment_sum(ones, dst, num_segments=n_nodes)
    dis = jnp.where(deg > 0, 1.0 / jnp.sqrt(deg), 0.0)
    norm = dis[src] * dis[dst]
    return src, dst, norm


def _gcn_layer(x, W, b, src, dst, norm, n_nodes):
    h = x @ W + b
    msg = h[src] * norm[:, None]          # gather (SparseCore)
    agg = jax.ops.segment_sum(msg, dst, num_segments=n_nodes)  # scatter-add
    return agg


def reference(x, edge_index, W1, b1, W2, b2):
    n_nodes = x.shape[0]
    src, dst, norm = _gcn_norm(edge_index, n_nodes)
    h = _gcn_layer(x, W1, b1, src, dst, norm, n_nodes)
    h = jax.nn.relu(h)
    # F.dropout with training=False (eval) is identity
    out = _gcn_layer(h, W2, b2, src, dst, norm, n_nodes)
    return jax.nn.log_softmax(out, axis=1)

if __name__ == "__main__":
    import jax
    _d = setup_inputs()
    print(jax.jit(kernel)(*tuple(_d.values())))

</pallas_src>

<mosaic_0001>
#map = affine_map<(d0, d1) -> (0, 0, 0)>
#map1 = affine_map<(d0, d1) -> (0, 0)>
module attributes {stable_mosaic.version = 14 : i64} {
  func.func @_deg_kernel(%arg0: i32, %arg1: i32, %arg2: memref<32x80x128xi32, #tpu.memory_space<hbm>>, %arg3: memref<2x10240xf32, #tpu.memory_space<hbm>>, %arg4: memref<80x128xi32, #tpu.memory_space<vmem>>, %arg5: memref<128xf32, #tpu.memory_space<vmem>>, %arg6: memref<640xf32, #tpu.memory_space<vmem>>, %arg7: memref<10240xf32, #tpu.memory_space<vmem_shared>>, %arg8: memref<!tpu.dma_semaphore, #tpu.memory_space<semaphore_mem>>) attributes {dimension_semantics = [#tpu.dimension_semantics<core_parallel>, #tpu.dimension_semantics<subcore_parallel>], iteration_bounds = array<i64: 2, 16>, scalar_prefetch = 0 : i64, scratch_operands = 5 : i64, tpu.core_type = #tpu.core_type<sc_vector_subcore>, window_params = [{transform_indices = #map}, {transform_indices = #map1}]} {
    %mul3A = arith.constant 2 : i32
    %mul3A_0 = arith.muli %arg1, %mul3A : i32
    %add3A = arith.addi %mul3A_0, %arg0 : i32
    %scan3A = arith.constant 0 : i32
    %scan3A_1 = arith.constant 8 : i32
    %scan3A_2 = arith.addi %scan3A, %scan3A_1 : i32
    %scan3A_3 = arith.constant 1 : i32
    scf.for %scan3A_36 = %scan3A to %scan3A_2 step %scan3A_3  : i32 {
      %mul3A_37 = arith.constant 16 : i32
      %mul3A_38 = arith.muli %scan3A_36, %mul3A_37 : i32
      %add3A_39 = arith.constant 0 : i32
      %add3A_40 = arith.addi %add3A_39, %mul3A_38 : i32
      %broadcast_in_dim3A = arith.constant 1.000000e+00 : f32
      %broadcast_in_dim3A_41 = vector.broadcast %broadcast_in_dim3A : f32 to vector<16xf32>
      %swap3A = arith.index_cast %add3A_40 : i32 to index
      %swap3A_42 = tpu.vector_load %arg5[%swap3A] {strides = array<i32>} : memref<128xf32, #tpu.memory_space<vmem>>, vector<16xf32>,
      %swap3A_43 = vector.shape_cast %swap3A_42 : vector<16xf32> to vector<16xf32>
      %swap3A_44 = vector.shape_cast %broadcast_in_dim3A_41 : vector<16xf32> to vector<16xf32>
      tpu.vector_store %arg5[%swap3A], %swap3A_44 {strides = array<i32>} : memref<128xf32, #tpu.memory_space<vmem>>, vector<16xf32>,
    }
    %scan3A_4 = arith.constant 8 : i32
    %scan3A_5 = arith.constant 0 : i32
    %scan3A_6 = arith.constant 40 : i32
    %scan3A_7 = arith.addi %scan3A_5, %scan3A_6 : i32
    %scan3A_8 = arith.constant 1 : i32
    scf.for %scan3A_36 = %scan3A_5 to %scan3A_7 step %scan3A_8  : i32 {
      %mul3A_37 = arith.constant 16 : i32
      %mul3A_38 = arith.muli %scan3A_36, %mul3A_37 : i32
      %add3A_39 = arith.constant 0 : i32
      %add3A_40 = arith.addi %add3A_39, %mul3A_38 : i32
      %broadcast_in_dim3A = arith.constant 0.000000e+00 : f32
      %broadcast_in_dim3A_41 = vector.broadcast %broadcast_in_dim3A : f32 to vector<16xf32>
      %swap3A = arith.index_cast %add3A_40 : i32 to index
      %swap3A_42 = tpu.vector_load %arg6[%swap3A] {strides = array<i32>} : memref<640xf32, #tpu.memory_space<vmem>>, vector<16xf32>,
      %swap3A_43 = vector.shape_cast %swap3A_42 : vector<16xf32> to vector<16xf32>
      %swap3A_44 = vector.shape_cast %broadcast_in_dim3A_41 : vector<16xf32> to vector<16xf32>
      tpu.vector_store %arg6[%swap3A], %swap3A_44 {strides = array<i32>} : memref<640xf32, #tpu.memory_space<vmem>>, vector<16xf32>,
    }
    %scan3A_9 = arith.constant 40 : i32
    %mul3A_10 = arith.constant 640 : i32
    %mul3A_11 = arith.muli %arg1, %mul3A_10 : i32
    "tpu.region"() ({
      %run_scoped3A = tpu.sem_alloc : memref<!tpu.dma_semaphore, #tpu.memory_space<semaphore_mem>>
      %dma_start3A_36 = tpu.memref_slice %arg7[%mul3A_11] : memref<10240xf32, #tpu.memory_space<vmem_shared>> -> memref<640xf32, #tpu.memory_space<vmem_shared>>
      %dma_start3A_37 = tpu.memref_slice %arg7[%mul3A_11] : memref<10240xf32, #tpu.memory_space<vmem_shared>> -> memref<640xf32, #tpu.memory_space<vmem_shared>>
      tpu.enqueue_dma source(%arg6 : memref<640xf32, #tpu.memory_space<vmem>>) target(%dma_start3A_37 : memref<640xf32, #tpu.memory_space<vmem_shared>>) target_semaphore(%run_scoped3A : memref<!tpu.dma_semaphore, #tpu.memory_space<semaphore_mem>>)
      %dma_wait3A_38 = tpu.memref_slice %arg7[%mul3A_11] : memref<10240xf32, #tpu.memory_space<vmem_shared>> -> memref<640xf32, #tpu.memory_space<vmem_shared>>
      %dma_wait3A_39 = tpu.memref_slice %arg7[%mul3A_11] : memref<10240xf32, #tpu.memory_space<vmem_shared>> -> memref<640xf32, #tpu.memory_space<vmem_shared>>
      tpu.wait_dma2 semaphore(%run_scoped3A : memref<!tpu.dma_semaphore, #tpu.memory_space<semaphore_mem>>) src(%arg6 : memref<640xf32, #tpu.memory_space<vmem>>) dst(%dma_wait3A_39 : memref<640xf32, #tpu.memory_space<vmem_shared>>)
      tpu.yield
    }) : () -> ()
    %dma_start3A = arith.constant 0 : i32
    %dma_start3A_12 = arith.constant 0 : i32
    %dma_start3A_13 = tpu.memref_slice %arg2[%add3A, %dma_start3A, %dma_start3A_12] : memref<32x80x128xi32, #tpu.memory_space<hbm>> -> memref<1x80x128xi32, #tpu.memory_space<hbm>>
    %dma_start3A_14 = tpu.memref_squeeze %dma_start3A_13 : memref<1x80x128xi32, #tpu.memory_space<hbm>> -> memref<80x128xi32, #tpu.memory_space<hbm>>
    %dma_start3A_15 = arith.constant 0 : i32
    %dma_start3A_16 = arith.constant 0 : i32
    %dma_start3A_17 = tpu.memref_slice %arg2[%add3A, %dma_start3A_15, %dma_start3A_16] : memref<32x80x128xi32, #tpu.memory_space<hbm>> -> memref<1x80x128xi32, #tpu.memory_space<hbm>>
    %dma_start3A_18 = tpu.memref_squeeze %dma_start3A_17 : memref<1x80x128xi32, #tpu.memory_space<hbm>> -> memref<80x128xi32, #tpu.memory_space<hbm>>
    tpu.enqueue_dma source(%dma_start3A_18 : memref<80x128xi32, #tpu.memory_space<hbm>>) target(%arg4 : memref<80x128xi32, #tpu.memory_space<vmem>>) target_semaphore(%arg8 : memref<!tpu.dma_semaphore, #tpu.memory_space<semaphore_mem>>)
    %dma_wait3A = arith.constant 0 : i32
    %dma_wait3A_19 = arith.constant 0 : i32
    %dma_wait3A_20 = tpu.memref_slice %arg2[%add3A, %dma_wait3A, %dma_wait3A_19] : memref<32x80x128xi32, #tpu.memory_space<hbm>> -> memref<1x80x128xi32, #tpu.memory_space<hbm>>
    %dma_wait3A_21 = tpu.memref_squeeze %dma_wait3A_20 : memref<1x80x128xi32, #tpu.memory_space<hbm>> -> memref<80x128xi32, #tpu.memory_space<hbm>>
    %dma_wait3A_22 = arith.constant 0 : i32
    %dma_wait3A_23 = arith.constant 0 : i32
    %dma_wait3A_24 = tpu.memref_slice %arg2[%add3A, %dma_wait3A_22, %dma_wait3A_23] : memref<32x80x128xi32, #tpu.memory_space<hbm>> -> memref<1x80x128xi32, #tpu.memory_space<hbm>>
    %dma_wait3A_25 = tpu.memref_squeeze %dma_wait3A_24 : memref<1x80x128xi32, #tpu.memory_space<hbm>> -> memref<80x128xi32, #tpu.memory_space<hbm>>
    tpu.wait_dma2 semaphore(%arg8 : memref<!tpu.dma_semaphore, #tpu.memory_space<semaphore_mem>>) src(%dma_wait3A_25 : memref<80x128xi32, #tpu.memory_space<hbm>>) dst(%arg4 : memref<80x128xi32, #tpu.memory_space<vmem>>)
    %barrier3A = arith.constant 0 : index
    tpu.barrier barrier_id(%barrier3A)
    %scan3A_26 = arith.constant 0 : i32
    %scan3A_27 = arith.constant 80 : i32
    %scan3A_28 = arith.addi %scan3A_26, %scan3A_27 : i32
    %scan3A_29 = arith.constant 1 : i32
    scf.for %scan3A_36 = %scan3A_26 to %scan3A_28 step %scan3A_29  : i32 {
      %mul3A_37 = arith.constant 1 : i32
      %mul3A_38 = arith.muli %scan3A_36, %mul3A_37 : i32
      %add3A_39 = arith.constant 0 : i32
      %add3A_40 = arith.addi %add3A_39, %mul3A_38 : i32
      "tpu.region"() ({
        %run_scoped3A = tpu.sem_alloc : memref<!tpu.dma_semaphore, #tpu.memory_space<semaphore_mem>>
        %dma_start3A_41 = arith.constant 0 : i32
        %dma_start3A_42 = tpu.memref_slice %arg4[%add3A_40, %dma_start3A_41] : memref<80x128xi32, #tpu.memory_space<vmem>> -> memref<1x128xi32, #tpu.memory_space<vmem>>
        %dma_start3A_43 = tpu.memref_squeeze %dma_start3A_42 : memref<1x128xi32, #tpu.memory_space<vmem>> -> memref<128xi32, #tpu.memory_space<vmem>>
        %dma_start3A_44 = arith.constant 0 : i32
        %dma_start3A_45 = tpu.memref_slice %arg7[%dma_start3A_44] : memref<10240xf32, #tpu.memory_space<vmem_shared>> -> memref<10240xf32, #tpu.memory_space<vmem_shared>>
        tpu.enqueue_indirect_dma source(%arg5 : memref<128xf32, #tpu.memory_space<vmem>>) target(%dma_start3A_45 : memref<10240xf32, #tpu.memory_space<vmem_shared>>) offsets(%dma_start3A_43 : memref<128xi32, #tpu.memory_space<vmem>>) semaphore(%run_scoped3A : memref<!tpu.dma_semaphore, #tpu.memory_space<semaphore_mem>>) {add = true}
        %dma_wait3A_46 = arith.constant 0 : i32
        %dma_wait3A_47 = tpu.memref_slice %arg4[%add3A_40, %dma_wait3A_46] : memref<80x128xi32, #tpu.memory_space<vmem>> -> memref<1x128xi32, #tpu.memory_space<vmem>>
        %dma_wait3A_48 = tpu.memref_squeeze %dma_wait3A_47 : memref<1x128xi32, #tpu.memory_space<vmem>> -> memref<128xi32, #tpu.memory_space<vmem>>
        %dma_wait3A_49 = arith.constant 0 : i32
        %dma_wait3A_50 = tpu.memref_slice %arg7[%dma_wait3A_49] : memref<10240xf32, #tpu.memory_space<vmem_shared>> -> memref<10240xf32, #tpu.memory_space<vmem_shared>>
        tpu.wait_indirect_dma semaphore(%run_scoped3A : memref<!tpu.dma_semaphore, #tpu.memory_space<semaphore_mem>>) src(%arg5 : memref<128xf32, #tpu.memory_space<vmem>>) dst(%dma_wait3A_50 : memref<10240xf32, #tpu.memory_space<vmem_shared>>)
        tpu.yield
      }) : () -> ()
    }
    %scan3A_30 = arith.constant 80 : i32
    %barrier3A_31 = arith.constant 0 : index
    tpu.barrier barrier_id(%barrier3A_31)
    %mul3A_32 = arith.constant 640 : i32
    %mul3A_33 = arith.muli %arg1, %mul3A_32 : i32
    %mul3A_34 = arith.constant 640 : i32
    %mul3A_35 = arith.muli %arg1, %mul3A_34 : i32
    "tpu.region"() ({
      %run_scoped3A = tpu.sem_alloc : memref<!tpu.dma_semaphore, #tpu.memory_space<semaphore_mem>>
      %dma_start3A_36 = tpu.memref_slice %arg3[%arg0, %mul3A_35] : memref<2x10240xf32, #tpu.memory_space<hbm>> -> memref<1x640xf32, #tpu.memory_space<hbm>>
      %dma_start3A_37 = tpu.memref_squeeze %dma_start3A_36 : memref<1x640xf32, #tpu.memory_space<hbm>> -> memref<640xf32, #tpu.memory_space<hbm>>
      %dma_start3A_38 = tpu.memref_slice %arg7[%mul3A_33] : memref<10240xf32, #tpu.memory_space<vmem_shared>> -> memref<640xf32, #tpu.memory_space<vmem_shared>>
      tpu.enqueue_dma source(%dma_start3A_38 : memref<640xf32, #tpu.memory_space<vmem_shared>>) target(%dma_start3A_37 : memref<640xf32, #tpu.memory_space<hbm>>) target_semaphore(%run_scoped3A : memref<!tpu.dma_semaphore, #tpu.memory_space<semaphore_mem>>)
      %dma_wait3A_39 = tpu.memref_slice %arg3[%arg0, %mul3A_35] : memref<2x10240xf32, #tpu.memory_space<hbm>> -> memref<1x640xf32, #tpu.memory_space<hbm>>
      %dma_wait3A_40 = tpu.memref_squeeze %dma_wait3A_39 : memref<1x640xf32, #tpu.memory_space<hbm>> -> memref<640xf32, #tpu.memory_space<hbm>>
      %dma_wait3A_41 = tpu.memref_slice %arg7[%mul3A_33] : memref<10240xf32, #tpu.memory_space<vmem_shared>> -> memref<640xf32, #tpu.memory_space<vmem_shared>>
      tpu.wait_dma2 semaphore(%run_scoped3A : memref<!tpu.dma_semaphore, #tpu.memory_space<semaphore_mem>>) src(%dma_wait3A_41 : memref<640xf32, #tpu.memory_space<vmem_shared>>) dst(%dma_wait3A_40 : memref<640xf32, #tpu.memory_space<hbm>>)
      tpu.yield
    }) : () -> ()
    return
  }
}

#map = affine_map<(d0, d1) -> (0, 0)>
#map1 = affine_map<(d0, d1) -> (0, 0, 0)>
module attributes {stable_mosaic.version = 14 : i64} {
  func.func @_scatter(%arg0: i32, %arg1: i32, %arg2: memref<10240x128xbf16, #tpu.memory_space<hbm>>, %arg3: memref<32x80x128xi32, #tpu.memory_space<hbm>>, %arg4: memref<32x80x128xi32, #tpu.memory_space<hbm>>, %arg5: memref<2x10240x128xbf16, #tpu.memory_space<hbm>>, %arg6: memref<80x128xi32, #tpu.memory_space<vmem>>, %arg7: memref<80x128xi32, #tpu.memory_space<vmem>>, %arg8: memref<128x128xbf16, #tpu.memory_space<vmem>>, %arg9: memref<128x128xbf16, #tpu.memory_space<vmem>>, %arg10: memref<128x128xbf16, #tpu.memory_space<vmem>>, %arg11: memref<128x128xbf16, #tpu.memory_space<vmem>>, %arg12: memref<64x128xbf16, #tpu.memory_space<vmem>>, %arg13: memref<10240x128xbf16, #tpu.memory_space<vmem_shared>>, %arg14: memref<!tpu.dma_semaphore, #tpu.memory_space<semaphore_mem>>, %arg15: memref<!tpu.dma_semaphore, #tpu.memory_space<semaphore_mem>>, %arg16: memref<!tpu.dma_semaphore, #tpu.memory_space<semaphore_mem>>, %arg17: memref<!tpu.dma_semaphore, #tpu.memory_space<semaphore_mem>>, %arg18: memref<!tpu.dma_semaphore, #tpu.memory_space<semaphore_mem>>) attributes {dimension_semantics = [#tpu.dimension_semantics<core_parallel>, #tpu.dimension_semantics<subcore_parallel>], iteration_bounds = array<i64: 2, 16>, scalar_prefetch = 0 : i64, scratch_operands = 13 : i64, tpu.core_type = #tpu.core_type<sc_vector_subcore>, window_params = [{transform_indices = #map}, {transform_indices = #map1}, {transform_indices = #map1}, {transform_indices = #map1}]} {
    %mul3A = arith.constant 2 : i32
    %mul3A_0 = arith.muli %arg1, %mul3A : i32
    %add3A = arith.addi %mul3A_0, %arg0 : i32
    %scan3A = arith.constant 0 : i32
    %scan3A_1 = arith.constant 64 : i32
    %scan3A_2 = arith.addi %scan3A, %scan3A_1 : i32
    %scan3A_3 = arith.constant 1 : i32
    scf.for %scan3A_109 = %scan3A to %scan3A_2 step %scan3A_3  : i32 {
      %mul3A_110 = arith.constant 1 : i32
      %mul3A_111 = arith.muli %scan3A_109, %mul3A_110 : i32
      %add3A_112 = arith.constant 0 : i32
      %add3A_113 = arith.addi %add3A_112, %mul3A_111 : i32
      %scan3A_114 = arith.constant 0 : i32
      %scan3A_115 = arith.constant 4 : i32
      %scan3A_116 = arith.addi %scan3A_114, %scan3A_115 : i32
      %scan3A_117 = arith.constant 1 : i32
      scf.for %scan3A_119 = %scan3A_114 to %scan3A_116 step %scan3A_117  : i32 {
        %mul3A_120 = arith.constant 32 : i32
        %mul3A_121 = arith.muli %scan3A_119, %mul3A_120 : i32
        %add3A_122 = arith.constant 0 : i32
        %add3A_123 = arith.addi %add3A_122, %mul3A_121 : i32
        %broadcast_in_dim3A = arith.constant 0.000000e+00 : bf16
        %broadcast_in_dim3A_124 = vector.broadcast %broadcast_in_dim3A : bf16 to vector<32xbf16>
        %swap3A = arith.index_cast %add3A_113 : i32 to index
        %swap3A_125 = arith.index_cast %add3A_123 : i32 to index
        %swap3A_126 = tpu.vector_load %arg12[%swap3A, %swap3A_125] {strides = array<i32>} : memref<64x128xbf16, #tpu.memory_space<vmem>>, vector<1x32xbf16>,
        %swap3A_127 = vector.shape_cast %swap3A_126 : vector<1x32xbf16> to vector<32xbf16>
        %swap3A_128 = vector.shape_cast %broadcast_in_dim3A_124 : vector<32xbf16> to vector<1x32xbf16>
        tpu.vector_store %arg12[%swap3A, %swap3A_125], %swap3A_128 {strides = array<i32>} : memref<64x128xbf16, #tpu.memory_space<vmem>>, vector<1x32xbf16>,
      }
      %scan3A_118 = arith.constant 4 : i32
    }
    %scan3A_4 = arith.constant 64 : i32
    %scan3A_5 = arith.constant 0 : i32
    %scan3A_6 = arith.constant 10 : i32
    %scan3A_7 = arith.addi %scan3A_5, %scan3A_6 : i32
    %scan3A_8 = arith.constant 1 : i32
    scf.for %scan3A_109 = %scan3A_5 to %scan3A_7 step %scan3A_8  : i32 {
      %mul3A_110 = arith.constant 1 : i32
      %mul3A_111 = arith.muli %scan3A_109, %mul3A_110 : i32
      %add3A_112 = arith.constant 0 : i32
      %add3A_113 = arith.addi %add3A_112, %mul3A_111 : i32
      %mul3A_114 = arith.constant 640 : i32
      %mul3A_115 = arith.muli %arg1, %mul3A_114 : i32
      %mul3A_116 = arith.constant 64 : i32
      %mul3A_117 = arith.muli %add3A_113, %mul3A_116 : i32
      %add3A_118 = arith.addi %mul3A_115, %mul3A_117 : i32
      "tpu.region"() ({
        %run_scoped3A_119 = tpu.sem_alloc : memref<!tpu.dma_semaphore, #tpu.memory_space<semaphore_mem>>
        %dma_start3A_120 = arith.constant 0 : i32
        %dma_start3A_121 = tpu.memref_slice %arg13[%add3A_118, %dma_start3A_120] : memref<10240x128xbf16, #tpu.memory_space<vmem_shared>> -> memref<64x128xbf16, #tpu.memory_space<vmem_shared>>
        %dma_start3A_122 = arith.constant 0 : i32
        %dma_start3A_123 = tpu.memref_slice %arg13[%add3A_118, %dma_start3A_122] : memref<10240x128xbf16, #tpu.memory_space<vmem_shared>> -> memref<64x128xbf16, #tpu.memory_space<vmem_shared>>
        tpu.enqueue_dma source(%arg12 : memref<64x128xbf16, #tpu.memory_space<vmem>>) target(%dma_start3A_123 : memref<64x128xbf16, #tpu.memory_space<vmem_shared>>) target_semaphore(%run_scoped3A_119 : memref<!tpu.dma_semaphore, #tpu.memory_space<semaphore_mem>>)
        %dma_wait3A_124 = arith.constant 0 : i32
        %dma_wait3A_125 = tpu.memref_slice %arg13[%add3A_118, %dma_wait3A_124] : memref<10240x128xbf16, #tpu.memory_space<vmem_shared>> -> memref<64x128xbf16, #tpu.memory_space<vmem_shared>>
        %dma_wait3A_126 = arith.constant 0 : i32
        %dma_wait3A_127 = tpu.memref_slice %arg13[%add3A_118, %dma_wait3A_126] : memref<10240x128xbf16, #tpu.memory_space<vmem_shared>> -> memref<64x128xbf16, #tpu.memory_space<vmem_shared>>
        tpu.wait_dma2 semaphore(%run_scoped3A_119 : memref<!tpu.dma_semaphore, #tpu.memory_space<semaphore_mem>>) src(%arg12 : memref<64x128xbf16, #tpu.memory_space<vmem>>) dst(%dma_wait3A_127 : memref<64x128xbf16, #tpu.memory_space<vmem_shared>>)
        tpu.yield
      }) : () -> ()
    }
    %scan3A_9 = arith.constant 10 : i32
    %dma_start3A = arith.constant 0 : i32
    %dma_start3A_10 = arith.constant 0 : i32
    %dma_start3A_11 = tpu.memref_slice %arg3[%add3A, %dma_start3A, %dma_start3A_10] : memref<32x80x128xi32, #tpu.memory_space<hbm>> -> memref<1x80x128xi32, #tpu.memory_space<hbm>>
    %dma_start3A_12 = tpu.memref_squeeze %dma_start3A_11 : memref<1x80x128xi32, #tpu.memory_space<hbm>> -> memref<80x128xi32, #tpu.memory_space<hbm>>
    %dma_start3A_13 = arith.constant 0 : i32
    %dma_start3A_14 = arith.constant 0 : i32
    %dma_start3A_15 = tpu.memref_slice %arg3[%add3A, %dma_start3A_13, %dma_start3A_14] : memref<32x80x128xi32, #tpu.memory_space<hbm>> -> memref<1x80x128xi32, #tpu.memory_space<hbm>>
    %dma_start3A_16 = tpu.memref_squeeze %dma_start3A_15 : memref<1x80x128xi32, #tpu.memory_space<hbm>> -> memref<80x128xi32, #tpu.memory_space<hbm>>
    tpu.enqueue_dma source(%dma_start3A_16 : memref<80x128xi32, #tpu.memory_space<hbm>>) target(%arg6 : memref<80x128xi32, #tpu.memory_space<vmem>>) target_semaphore(%arg18 : memref<!tpu.dma_semaphore, #tpu.memory_space<semaphore_mem>>)
    %dma_start3A_17 = arith.constant 0 : i32
    %dma_start3A_18 = arith.constant 0 : i32
    %dma_start3A_19 = tpu.memref_slice %arg4[%add3A, %dma_start3A_17, %dma_start3A_18] : memref<32x80x128xi32, #tpu.memory_space<hbm>> -> memref<1x80x128xi32, #tpu.memory_space<hbm>>
    %dma_start3A_20 = tpu.memref_squeeze %dma_start3A_19 : memref<1x80x128xi32, #tpu.memory_space<hbm>> -> memref<80x128xi32, #tpu.memory_space<hbm>>
    %dma_start3A_21 = arith.constant 0 : i32
    %dma_start3A_22 = arith.constant 0 : i32
    %dma_start3A_23 = tpu.memref_slice %arg4[%add3A, %dma_start3A_21, %dma_start3A_22] : memref<32x80x128xi32, #tpu.memory_space<hbm>> -> memref<1x80x128xi32, #tpu.memory_space<hbm>>
    %dma_start3A_24 = tpu.memref_squeeze %dma_start3A_23 : memref<1x80x128xi32, #tpu.memory_space<hbm>> -> memref<80x128xi32, #tpu.memory_space<hbm>>
    tpu.enqueue_dma source(%dma_start3A_24 : memref<80x128xi32, #tpu.memory_space<hbm>>) target(%arg7 : memref<80x128xi32, #tpu.memory_space<vmem>>) target_semaphore(%arg18 : memref<!tpu.dma_semaphore, #tpu.memory_space<semaphore_mem>>)
    %dma_wait3A = arith.constant 0 : i32
    %dma_wait3A_25 = arith.constant 0 : i32
    %dma_wait3A_26 = tpu.memref_slice %arg3[%add3A, %dma_wait3A, %dma_wait3A_25] : memref<32x80x128xi32, #tpu.memory_space<hbm>> -> memref<1x80x128xi32, #tpu.memory_space<hbm>>
    %dma_wait3A_27 = tpu.memref_squeeze %dma_wait3A_26 : memref<1x80x128xi32, #tpu.memory_space<hbm>> -> memref<80x128xi32, #tpu.memory_space<hbm>>
    %dma_wait3A_28 = arith.constant 0 : i32
    %dma_wait3A_29 = arith.constant 0 : i32
    %dma_wait3A_30 = tpu.memref_slice %arg3[%add3A, %dma_wait3A_28, %dma_wait3A_29] : memref<32x80x128xi32, #tpu.memory_space<hbm>> -> memref<1x80x128xi32, #tpu.memory_space<hbm>>
    %dma_wait3A_31 = tpu.memref_squeeze %dma_wait3A_30 : memref<1x80x128xi32, #tpu.memory_space<hbm>> -> memref<80x128xi32, #tpu.memory_space<hbm>>
    tpu.wait_dma2 semaphore(%arg18 : memref<!tpu.dma_semaphore, #tpu.memory_space<semaphore_mem>>) src(%dma_wait3A_31 : memref<80x128xi32, #tpu.memory_space<hbm>>) dst(%arg6 : memref<80x128xi32, #tpu.memory_space<vmem>>)
    %dma_wait3A_32 = arith.constant 0 : i32
    %dma_wait3A_33 = arith.constant 0 : i32
    %dma_wait3A_34 = tpu.memref_slice %arg4[%add3A, %dma_wait3A_32, %dma_wait3A_33] : memref<32x80x128xi32, #tpu.memory_space<hbm>> -> memref<1x80x128xi32, #tpu.memory_space<hbm>>
    %dma_wait3A_35 = tpu.memref_squeeze %dma_wait3A_34 : memref<1x80x128xi32, #tpu.memory_space<hbm>> -> memref<80x128xi32, #tpu.memory_space<hbm>>
    %dma_wait3A_36 = arith.constant 0 : i32
    %dma_wait3A_37 = arith.constant 0 : i32
    %dma_wait3A_38 = tpu.memref_slice %arg4[%add3A, %dma_wait3A_36, %dma_wait3A_37] : memref<32x80x128xi32, #tpu.memory_space<hbm>> -> memref<1x80x128xi32, #tpu.memory_space<hbm>>
    %dma_wait3A_39 = tpu.memref_squeeze %dma_wait3A_38 : memref<1x80x128xi32, #tpu.memory_space<hbm>> -> memref<80x128xi32, #tpu.memory_space<hbm>>
    tpu.wait_dma2 semaphore(%arg18 : memref<!tpu.dma_semaphore, #tpu.memory_space<semaphore_mem>>) src(%dma_wait3A_39 : memref<80x128xi32, #tpu.memory_space<hbm>>) dst(%arg7 : memref<80x128xi32, #tpu.memory_space<vmem>>)
    %barrier3A = arith.constant 0 : index
    tpu.barrier barrier_id(%barrier3A)
    %dma_start3A_40 = arith.constant 0 : i32
    %dma_start3A_41 = arith.constant 0 : i32
    %dma_start3A_42 = tpu.memref_slice %arg6[%dma_start3A_40, %dma_start3A_41] : memref<80x128xi32, #tpu.memory_space<vmem>> -> memref<1x128xi32, #tpu.memory_space<vmem>>
    %dma_start3A_43 = tpu.memref_squeeze %dma_start3A_42 : memref<1x128xi32, #tpu.memory_space<vmem>> -> memref<128xi32, #tpu.memory_space<vmem>>
    %dma_start3A_44 = arith.constant 0 : i32
    %dma_start3A_45 = arith.constant 0 : i32
    %dma_start3A_46 = tpu.memref_slice %arg2[%dma_start3A_44, %dma_start3A_45] : memref<10240x128xbf16, #tpu.memory_space<hbm>> -> memref<10240x128xbf16, #tpu.memory_space<hbm>>
    tpu.enqueue_indirect_dma source(%dma_start3A_46 : memref<10240x128xbf16, #tpu.memory_space<hbm>>) target(%arg8 : memref<128x128xbf16, #tpu.memory_space<vmem>>) offsets(%dma_start3A_43 : memref<128xi32, #tpu.memory_space<vmem>>) semaphore(%arg14 : memref<!tpu.dma_semaphore, #tpu.memory_space<semaphore_mem>>)
    %dma_start3A_47 = arith.constant 1 : i32
    %dma_start3A_48 = arith.constant 0 : i32
    %dma_start3A_49 = tpu.memref_slice %arg6[%dma_start3A_47, %dma_start3A_48] : memref<80x128xi32, #tpu.memory_space<vmem>> -> memref<1x128xi32, #tpu.memory_space<vmem>>
    %dma_start3A_50 = tpu.memref_squeeze %dma_start3A_49 : memref<1x128xi32, #tpu.memory_space<vmem>> -> memref<128xi32, #tpu.memory_space<vmem>>
    %dma_start3A_51 = arith.constant 0 : i32
    %dma_start3A_52 = arith.constant 0 : i32
    %dma_start3A_53 = tpu.memref_slice %arg2[%dma_start3A_51, %dma_start3A_52] : memref<10240x128xbf16, #tpu.memory_space<hbm>> -> memref<10240x128xbf16, #tpu.memory_space<hbm>>
    tpu.enqueue_indirect_dma source(%dma_start3A_53 : memref<10240x128xbf16, #tpu.memory_space<hbm>>) target(%arg9 : memref<128x128xbf16, #tpu.memory_space<vmem>>) offsets(%dma_start3A_50 : memref<128xi32, #tpu.memory_space<vmem>>) semaphore(%arg15 : memref<!tpu.dma_semaphore, #tpu.memory_space<semaphore_mem>>)
    %dma_start3A_54 = arith.constant 2 : i32
    %dma_start3A_55 = arith.constant 0 : i32
    %dma_start3A_56 = tpu.memref_slice %arg6[%dma_start3A_54, %dma_start3A_55] : memref<80x128xi32, #tpu.memory_space<vmem>> -> memref<1x128xi32, #tpu.memory_space<vmem>>
    %dma_start3A_57 = tpu.memref_squeeze %dma_start3A_56 : memref<1x128xi32, #tpu.memory_space<vmem>> -> memref<128xi32, #tpu.memory_space<vmem>>
    %dma_start3A_58 = arith.constant 0 : i32
    %dma_start3A_59 = arith.constant 0 : i32
    %dma_start3A_60 = tpu.memref_slice %arg2[%dma_start3A_58, %dma_start3A_59] : memref<10240x128xbf16, #tpu.memory_space<hbm>> -> memref<10240x128xbf16, #tpu.memory_space<hbm>>
    tpu.enqueue_indirect_dma source(%dma_start3A_60 : memref<10240x128xbf16, #tpu.memory_space<hbm>>) target(%arg10 : memref<128x128xbf16, #tpu.memory_space<vmem>>) offsets(%dma_start3A_57 : memref<128xi32, #tpu.memory_space<vmem>>) semaphore(%arg16 : memref<!tpu.dma_semaphore, #tpu.memory_space<semaphore_mem>>)
    %dma_start3A_61 = arith.constant 3 : i32
    %dma_start3A_62 = arith.constant 0 : i32
    %dma_start3A_63 = tpu.memref_slice %arg6[%dma_start3A_61, %dma_start3A_62] : memref<80x128xi32, #tpu.memory_space<vmem>> -> memref<1x128xi32, #tpu.memory_space<vmem>>
    %dma_start3A_64 = tpu.memref_squeeze %dma_start3A_63 : memref<1x128xi32, #tpu.memory_space<vmem>> -> memref<128xi32, #tpu.memory_space<vmem>>
    %dma_start3A_65 = arith.constant 0 : i32
    %dma_start3A_66 = arith.constant 0 : i32
    %dma_start3A_67 = tpu.memref_slice %arg2[%dma_start3A_65, %dma_start3A_66] : memref<10240x128xbf16, #tpu.memory_space<hbm>> -> memref<10240x128xbf16, #tpu.memory_space<hbm>>
    tpu.enqueue_indirect_dma source(%dma_start3A_67 : memref<10240x128xbf16, #tpu.memory_space<hbm>>) target(%arg11 : memref<128x128xbf16, #tpu.memory_space<vmem>>) offsets(%dma_start3A_64 : memref<128xi32, #tpu.memory_space<vmem>>) semaphore(%arg17 : memref<!tpu.dma_semaphore, #tpu.memory_space<semaphore_mem>>)
    %scan3A_68 = arith.constant 0 : i32
    %scan3A_69 = arith.constant 19 : i32
    %scan3A_70 = arith.addi %scan3A_68, %scan3A_69 : i32
    %scan3A_71 = arith.constant 1 : i32
    scf.for %scan3A_109 = %scan3A_68 to %scan3A_70 step %scan3A_71  : i32 {
      %mul3A_110 = arith.constant 4 : i32
      %mul3A_111 = arith.muli %scan3A_109, %mul3A_110 : i32
      %add3A_112 = arith.constant 0 : i32
      %add3A_113 = arith.addi %add3A_112, %mul3A_111 : i32
      %add3A_114 = arith.constant 0 : i32
      %add3A_115 = arith.addi %add3A_113, %add3A_114 : i32
      %dma_wait3A_116 = arith.constant 0 : i32
      %dma_wait3A_117 = tpu.memref_slice %arg6[%add3A_115, %dma_wait3A_116] : memref<80x128xi32, #tpu.memory_space<vmem>> -> memref<1x128xi32, #tpu.memory_space<vmem>>
      %dma_wait3A_118 = tpu.memref_squeeze %dma_wait3A_117 : memref<1x128xi32, #tpu.memory_space<vmem>> -> memref<128xi32, #tpu.memory_space<vmem>>
      %dma_wait3A_119 = arith.constant 0 : i32
      %dma_wait3A_120 = arith.constant 0 : i32
      %dma_wait3A_121 = tpu.memref_slice %arg2[%dma_wait3A_119, %dma_wait3A_120] : memref<10240x128xbf16, #tpu.memory_space<hbm>> -> memref<10240x128xbf16, #tpu.memory_space<hbm>>
      tpu.wait_indirect_dma semaphore(%arg14 : memref<!tpu.dma_semaphore, #tpu.memory_space<semaphore_mem>>) src(%dma_wait3A_121 : memref<10240x128xbf16, #tpu.memory_space<hbm>>) dst(%arg8 : memref<128x128xbf16, #tpu.memory_space<vmem>>)
      %add3A_122 = arith.constant 0 : i32
      %add3A_123 = arith.addi %add3A_113, %add3A_122 : i32
      "tpu.region"() ({
        %run_scoped3A_194 = tpu.sem_alloc : memref<!tpu.dma_semaphore, #tpu.memory_space<semaphore_mem>>
        %dma_start3A_195 = arith.constant 0 : i32
        %dma_start3A_196 = tpu.memref_slice %arg7[%add3A_123, %dma_start3A_195] : memref<80x128xi32, #tpu.memory_space<vmem>> -> memref<1x128xi32, #tpu.memory_space<vmem>>
        %dma_start3A_197 = tpu.memref_squeeze %dma_start3A_196 : memref<1x128xi32, #tpu.memory_space<vmem>> -> memref<128xi32, #tpu.memory_space<vmem>>
        %dma_start3A_198 = arith.constant 0 : i32
        %dma_start3A_199 = arith.constant 0 : i32
        %dma_start3A_200 = tpu.memref_slice %arg13[%dma_start3A_198, %dma_start3A_199] : memref<10240x128xbf16, #tpu.memory_space<vmem_shared>> -> memref<10240x128xbf16, #tpu.memory_space<vmem_shared>>
        tpu.enqueue_indirect_dma source(%arg8 : memref<128x128xbf16, #tpu.memory_space<vmem>>) target(%dma_start3A_200 : memref<10240x128xbf16, #tpu.memory_space<vmem_shared>>) offsets(%dma_start3A_197 : memref<128xi32, #tpu.memory_space<vmem>>) semaphore(%run_scoped3A_194 : memref<!tpu.dma_semaphore, #tpu.memory_space<semaphore_mem>>) {add = true}
        %dma_wait3A_201 = arith.constant 0 : i32
        %dma_wait3A_202 = tpu.memref_slice %arg7[%add3A_123, %dma_wait3A_201] : memref<80x128xi32, #tpu.memory_space<vmem>> -> memref<1x128xi32, #tpu.memory_space<vmem>>
        %dma_wait3A_203 = tpu.memref_squeeze %dma_wait3A_202 : memref<1x128xi32, #tpu.memory_space<vmem>> -> memref<128xi32, #tpu.memory_space<vmem>>
        %dma_wait3A_204 = arith.constant 0 : i32
        %dma_wait3A_205 = arith.constant 0 : i32
        %dma_wait3A_206 = tpu.memref_slice %arg13[%dma_wait3A_204, %dma_wait3A_205] : memref<10240x128xbf16, #tpu.memory_space<vmem_shared>> -> memref<10240x128xbf16, #tpu.memory_space<vmem_shared>>
        tpu.wait_indirect_dma semaphore(%run_scoped3A_194 : memref<!tpu.dma_semaphore, #tpu.memory_space<semaphore_mem>>) src(%arg8 : memref<128x128xbf16, #tpu.memory_space<vmem>>) dst(%dma_wait3A_206 : memref<10240x128xbf16, #tpu.memory_space<vmem_shared>>)
        tpu.yield
      }) : () -> ()
      %add3A_124 = arith.constant 4 : i32
      %add3A_125 = arith.addi %add3A_113, %add3A_124 : i32
      %add3A_126 = arith.constant 0 : i32
      %add3A_127 = arith.addi %add3A_125, %add3A_126 : i32
      %dma_start3A_128 = arith.constant 0 : i32
      %dma_start3A_129 = tpu.memref_slice %arg6[%add3A_127, %dma_start3A_128] : memref<80x128xi32, #tpu.memory_space<vmem>> -> memref<1x128xi32, #tpu.memory_space<vmem>>
      %dma_start3A_130 = tpu.memref_squeeze %dma_start3A_129 : memref<1x128xi32, #tpu.memory_space<vmem>> -> memref<128xi32, #tpu.memory_space<vmem>>
      %dma_start3A_131 = arith.constant 0 : i32
      %dma_start3A_132 = arith.constant 0 : i32
      %dma_start3A_133 = tpu.memref_slice %arg2[%dma_start3A_131, %dma_start3A_132] : memref<10240x128xbf16, #tpu.memory_space<hbm>> -> memref<10240x128xbf16, #tpu.memory_space<hbm>>
      tpu.enqueue_indirect_dma source(%dma_start3A_133 : memref<10240x128xbf16, #tpu.memory_space<hbm>>) target(%arg8 : memref<128x128xbf16, #tpu.memory_space<vmem>>) offsets(%dma_start3A_130 : memref<128xi32, #tpu.memory_space<vmem>>) semaphore(%arg14 : memref<!tpu.dma_semaphore, #tpu.memory_space<semaphore_mem>>)
      %add3A_134 = arith.constant 1 : i32
      %add3A_135 = arith.addi %add3A_113, %add3A_134 : i32
      %dma_wait3A_136 = arith.constant 0 : i32
      %dma_wait3A_137 = tpu.memref_slice %arg6[%add3A_135, %dma_wait3A_136] : memref<80x128xi32, #tpu.memory_space<vmem>> -> memref<1x128xi32, #tpu.memory_space<vmem>>
      %dma_wait3A_138 = tpu.memref_squeeze %dma_wait3A_137 : memref<1x128xi32, #tpu.memory_space<vmem>> -> memref<128xi32, #tpu.memory_space<vmem>>
      %dma_wait3A_139 = arith.constant 0 : i32
      %dma_wait3A_140 = arith.constant 0 : i32
      %dma_wait3A_141 = tpu.memref_slice %arg2[%dma_wait3A_139, %dma_wait3A_140] : memref<10240x128xbf16, #tpu.memory_space<hbm>> -> memref<10240x128xbf16, #tpu.memory_space<hbm>>
      tpu.wait_indirect_dma semaphore(%arg15 : memref<!tpu.dma_semaphore, #tpu.memory_space<semaphore_mem>>) src(%dma_wait3A_141 : memref<10240x128xbf16, #tpu.memory_space<hbm>>) dst(%arg9 : memref<128x128xbf16, #tpu.memory_space<vmem>>)
      %add3A_142 = arith.constant 1 : i32
      %add3A_143 = arith.addi %add3A_113, %add3A_142 : i32
      "tpu.region"() ({
        %run_scoped3A_194 = tpu.sem_alloc : memref<!tpu.dma_semaphore, #tpu.memory_space<semaphore_mem>>
        %dma_start3A_195 = arith.constant 0 : i32
        %dma_start3A_196 = tpu.memref_slice %arg7[%add3A_143, %dma_start3A_195] : memref<80x128xi32, #tpu.memory_space<vmem>> -> memref<1x128xi32, #tpu.memory_space<vmem>>
        %dma_start3A_197 = tpu.memref_squeeze %dma_start3A_196 : memref<1x128xi32, #tpu.memory_space<vmem>> -> memref<128xi32, #tpu.memory_space<vmem>>
        %dma_start3A_198 = arith.constant 0 : i32
        %dma_start3A_199 = arith.constant 0 : i32
        %dma_start3A_200 = tpu.memref_slice %arg13[%dma_start3A_198, %dma_start3A_199] : memref<10240x128xbf16, #tpu.memory_space<vmem_shared>> -> memref<10240x128xbf16, #tpu.memory_space<vmem_shared>>
        tpu.enqueue_indirect_dma source(%arg9 : memref<128x128xbf16, #tpu.memory_space<vmem>>) target(%dma_start3A_200 : memref<10240x128xbf16, #tpu.memory_space<vmem_shared>>) offsets(%dma_start3A_197 : memref<128xi32, #tpu.memory_space<vmem>>) semaphore(%run_scoped3A_194 : memref<!tpu.dma_semaphore, #tpu.memory_space<semaphore_mem>>) {add = true}
        %dma_wait3A_201 = arith.constant 0 : i32
        %dma_wait3A_202 = tpu.memref_slice %arg7[%add3A_143, %dma_wait3A_201] : memref<80x128xi32, #tpu.memory_space<vmem>> -> memref<1x128xi32, #tpu.memory_space<vmem>>
        %dma_wait3A_203 = tpu.memref_squeeze %dma_wait3A_202 : memref<1x128xi32, #tpu.memory_space<vmem>> -> memref<128xi32, #tpu.memory_space<vmem>>
        %dma_wait3A_204 = arith.constant 0 : i32
        %dma_wait3A_205 = arith.constant 0 : i32
        %dma_wait3A_206 = tpu.memref_slice %arg13[%dma_wait3A_204, %dma_wait3A_205] : memref<10240x128xbf16, #tpu.memory_space<vmem_shared>> -> memref<10240x128xbf16, #tpu.memory_space<vmem_shared>>
        tpu.wait_indirect_dma semaphore(%run_scoped3A_194 : memref<!tpu.dma_semaphore, #tpu.memory_space<semaphore_mem>>) src(%arg9 : memref<128x128xbf16, #tpu.memory_space<vmem>>) dst(%dma_wait3A_206 : memref<10240x128xbf16, #tpu.memory_space<vmem_shared>>)
        tpu.yield
      }) : () -> ()
      %add3A_144 = arith.constant 4 : i32
      %add3A_145 = arith.addi %add3A_113, %add3A_144 : i32
      %add3A_146 = arith.constant 1 : i32
      %add3A_147 = arith.addi %add3A_145, %add3A_146 : i32
      %dma_start3A_148 = arith.constant 0 : i32
      %dma_start3A_149 = tpu.memref_slice %arg6[%add3A_147, %dma_start3A_148] : memref<80x128xi32, #tpu.memory_space<vmem>> -> memref<1x128xi32, #tpu.memory_space<vmem>>
      %dma_start3A_150 = tpu.memref_squeeze %dma_start3A_149 : memref<1x128xi32, #tpu.memory_space<vmem>> -> memref<128xi32, #tpu.memory_space<vmem>>
      %dma_start3A_151 = arith.constant 0 : i32
      %dma_start3A_152 = arith.constant 0 : i32
      %dma_start3A_153 = tpu.memref_slice %arg2[%dma_start3A_151, %dma_start3A_152] : memref<10240x128xbf16, #tpu.memory_space<hbm>> -> memref<10240x128xbf16, #tpu.memory_space<hbm>>
      tpu.enqueue_indirect_dma source(%dma_start3A_153 : memref<10240x128xbf16, #tpu.memory_space<hbm>>) target(%arg9 : memref<128x128xbf16, #tpu.memory_space<vmem>>) offsets(%dma_start3A_150 : memref<128xi32, #tpu.memory_space<vmem>>) semaphore(%arg15 : memref<!tpu.dma_semaphore, #tpu.memory_space<semaphore_mem>>)
      %add3A_154 = arith.constant 2 : i32
      %add3A_155 = arith.addi %add3A_113, %add3A_154 : i32
      %dma_wait3A_156 = arith.constant 0 : i32
      %dma_wait3A_157 = tpu.memref_slice %arg6[%add3A_155, %dma_wait3A_156] : memref<80x128xi32, #tpu.memory_space<vmem>> -> memref<1x128xi32, #tpu.memory_space<vmem>>
      %dma_wait3A_158 = tpu.memref_squeeze %dma_wait3A_157 : memref<1x128xi32, #tpu.memory_space<vmem>> -> memref<128xi32, #tpu.memory_space<vmem>>
      %dma_wait3A_159 = arith.constant 0 : i32
      %dma_wait3A_160 = arith.constant 0 : i32
      %dma_wait3A_161 = tpu.memref_slice %arg2[%dma_wait3A_159, %dma_wait3A_160] : memref<10240x128xbf16, #tpu.memory_space<hbm>> -> memref<10240x128xbf16, #tpu.memory_space<hbm>>
      tpu.wait_indirect_dma semaphore(%arg16 : memref<!tpu.dma_semaphore, #tpu.memory_space<semaphore_mem>>) src(%dma_wait3A_161 : memref<10240x128xbf16, #tpu.memory_space<hbm>>) dst(%arg10 : memref<128x128xbf16, #tpu.memory_space<vmem>>)
      %add3A_162 = arith.constant 2 : i32
      %add3A_163 = arith.addi %add3A_113, %add3A_162 : i32
      "tpu.region"() ({
        %run_scoped3A_194 = tpu.sem_alloc : memref<!tpu.dma_semaphore, #tpu.memory_space<semaphore_mem>>
        %dma_start3A_195 = arith.constant 0 : i32
        %dma_start3A_196 = tpu.memref_slice %arg7[%add3A_163, %dma_start3A_195] : memref<80x128xi32, #tpu.memory_space<vmem>> -> memref<1x128xi32, #tpu.memory_space<vmem>>
        %dma_start3A_197 = tpu.memref_squeeze %dma_start3A_196 : memref<1x128xi32, #tpu.memory_space<vmem>> -> memref<128xi32, #tpu.memory_space<vmem>>
        %dma_start3A_198 = arith.constant 0 : i32
        %dma_start3A_199 = arith.constant 0 : i32
        %dma_start3A_200 = tpu.memref_slice %arg13[%dma_start3A_198, %dma_start3A_199] : memref<10240x128xbf16, #tpu.memory_space<vmem_shared>> -> memref<10240x128xbf16, #tpu.memory_space<vmem_shared>>
        tpu.enqueue_indirect_dma source(%arg10 : memref<128x128xbf16, #tpu.memory_space<vmem>>) target(%dma_start3A_200 : memref<10240x128xbf16, #tpu.memory_space<vmem_shared>>) offsets(%dma_start3A_197 : memref<128xi32, #tpu.memory_space<vmem>>) semaphore(%run_scoped3A_194 : memref<!tpu.dma_semaphore, #tpu.memory_space<semaphore_mem>>) {add = true}
        %dma_wait3A_201 = arith.constant 0 : i32
        %dma_wait3A_202 = tpu.memref_slice %arg7[%add3A_163, %dma_wait3A_201] : memref<80x128xi32, #tpu.memory_space<vmem>> -> memref<1x128xi32, #tpu.memory_space<vmem>>
        %dma_wait3A_203 = tpu.memref_squeeze %dma_wait3A_202 : memref<1x128xi32, #tpu.memory_space<vmem>> -> memref<128xi32, #tpu.memory_space<vmem>>
        %dma_wait3A_204 = arith.constant 0 : i32
        %dma_wait3A_205 = arith.constant 0 : i32
        %dma_wait3A_206 = tpu.memref_slice %arg13[%dma_wait3A_204, %dma_wait3A_205] : memref<10240x128xbf16, #tpu.memory_space<vmem_shared>> -> memref<10240x128xbf16, #tpu.memory_space<vmem_shared>>
        tpu.wait_indirect_dma semaphore(%run_scoped3A_194 : memref<!tpu.dma_semaphore, #tpu.memory_space<semaphore_mem>>) src(%arg10 : memref<128x128xbf16, #tpu.memory_space<vmem>>) dst(%dma_wait3A_206 : memref<10240x128xbf16, #tpu.memory_space<vmem_shared>>)
        tpu.yield
      }) : () -> ()
      %add3A_164 = arith.constant 4 : i32
      %add3A_165 = arith.addi %add3A_113, %add3A_164 : i32
      %add3A_166 = arith.constant 2 : i32
      %add3A_167 = arith.addi %add3A_165, %add3A_166 : i32
      %dma_start3A_168 = arith.constant 0 : i32
      %dma_start3A_169 = tpu.memref_slice %arg6[%add3A_167, %dma_start3A_168] : memref<80x128xi32, #tpu.memory_space<vmem>> -> memref<1x128xi32, #tpu.memory_space<vmem>>
      %dma_start3A_170 = tpu.memref_squeeze %dma_start3A_169 : memref<1x128xi32, #tpu.memory_space<vmem>> -> memref<128xi32, #tpu.memory_space<vmem>>
      %dma_start3A_171 = arith.constant 0 : i32
      %dma_start3A_172 = arith.constant 0 : i32
      %dma_start3A_173 = tpu.memref_slice %arg2[%dma_start3A_171, %dma_start3A_172] : memref<10240x128xbf16, #tpu.memory_space<hbm>> -> memref<10240x128xbf16, #tpu.memory_space<hbm>>
      tpu.enqueue_indirect_dma source(%dma_start3A_173 : memref<10240x128xbf16, #tpu.memory_space<hbm>>) target(%arg10 : memref<128x128xbf16, #tpu.memory_space<vmem>>) offsets(%dma_start3A_170 : memref<128xi32, #tpu.memory_space<vmem>>) semaphore(%arg16 : memref<!tpu.dma_semaphore, #tpu.memory_space<semaphore_mem>>)
      %add3A_174 = arith.constant 3 : i32
      %add3A_175 = arith.addi %add3A_113, %add3A_174 : i32
      %dma_wait3A_176 = arith.constant 0 : i32
      %dma_wait3A_177 = tpu.memref_slice %arg6[%add3A_175, %dma_wait3A_176] : memref<80x128xi32, #tpu.memory_space<vmem>> -> memref<1x128xi32, #tpu.memory_space<vmem>>
      %dma_wait3A_178 = tpu.memref_squeeze %dma_wait3A_177 : memref<1x128xi32, #tpu.memory_space<vmem>> -> memref<128xi32, #tpu.memory_space<vmem>>
      %dma_wait3A_179 = arith.constant 0 : i32
      %dma_wait3A_180 = arith.constant 0 : i32
      %dma_wait3A_181 = tpu.memref_slice %arg2[%dma_wait3A_179, %dma_wait3A_180] : memref<10240x128xbf16, #tpu.memory_space<hbm>> -> memref<10240x128xbf16, #tpu.memory_space<hbm>>
      tpu.wait_indirect_dma semaphore(%arg17 : memref<!tpu.dma_semaphore, #tpu.memory_space<semaphore_mem>>) src(%dma_wait3A_181 : memref<10240x128xbf16, #tpu.memory_space<hbm>>) dst(%arg11 : memref<128x128xbf16, #tpu.memory_space<vmem>>)
      %add3A_182 = arith.constant 3 : i32
      %add3A_183 = arith.addi %add3A_113, %add3A_182 : i32
      "tpu.region"() ({
        %run_scoped3A_194 = tpu.sem_alloc : memref<!tpu.dma_semaphore, #tpu.memory_space<semaphore_mem>>
        %dma_start3A_195 = arith.constant 0 : i32
        %dma_start3A_196 = tpu.memref_slice %arg7[%add3A_183, %dma_start3A_195] : memref<80x128xi32, #tpu.memory_space<vmem>> -> memref<1x128xi32, #tpu.memory_space<vmem>>
        %dma_start3A_197 = tpu.memref_squeeze %dma_start3A_196 : memref<1x128xi32, #tpu.memory_space<vmem>> -> memref<128xi32, #tpu.memory_space<vmem>>
        %dma_start3A_198 = arith.constant 0 : i32
        %dma_start3A_199 = arith.constant 0 : i32
        %dma_start3A_200 = tpu.memref_slice %arg13[%dma_start3A_198, %dma_start3A_199] : memref<10240x128xbf16, #tpu.memory_space<vmem_shared>> -> memref<10240x128xbf16, #tpu.memory_space<vmem_shared>>
        tpu.enqueue_indirect_dma source(%arg11 : memref<128x128xbf16, #tpu.memory_space<vmem>>) target(%dma_start3A_200 : memref<10240x128xbf16, #tpu.memory_space<vmem_shared>>) offsets(%dma_start3A_197 : memref<128xi32, #tpu.memory_space<vmem>>) semaphore(%run_scoped3A_194 : memref<!tpu.dma_semaphore, #tpu.memory_space<semaphore_mem>>) {add = true}
        %dma_wait3A_201 = arith.constant 0 : i32
        %dma_wait3A_202 = tpu.memref_slice %arg7[%add3A_183, %dma_wait3A_201] : memref<80x128xi32, #tpu.memory_space<vmem>> -> memref<1x128xi32, #tpu.memory_space<vmem>>
        %dma_wait3A_203 = tpu.memref_squeeze %dma_wait3A_202 : memref<1x128xi32, #tpu.memory_space<vmem>> -> memref<128xi32, #tpu.memory_space<vmem>>
        %dma_wait3A_204 = arith.constant 0 : i32
        %dma_wait3A_205 = arith.constant 0 : i32
        %dma_wait3A_206 = tpu.memref_slice %arg13[%dma_wait3A_204, %dma_wait3A_205] : memref<10240x128xbf16, #tpu.memory_space<vmem_shared>> -> memref<10240x128xbf16, #tpu.memory_space<vmem_shared>>
        tpu.wait_indirect_dma semaphore(%run_scoped3A_194 : memref<!tpu.dma_semaphore, #tpu.memory_space<semaphore_mem>>) src(%arg11 : memref<128x128xbf16, #tpu.memory_space<vmem>>) dst(%dma_wait3A_206 : memref<10240x128xbf16, #tpu.memory_space<vmem_shared>>)
        tpu.yield
      }) : () -> ()
      %add3A_184 = arith.constant 4 : i32
      %add3A_185 = arith.addi %add3A_113, %add3A_184 : i32
      %add3A_186 = arith.constant 3 : i32
      %add3A_187 = arith.addi %add3A_185, %add3A_186 : i32
      %dma_start3A_188 = arith.constant 0 : i32
      %dma_start3A_189 = tpu.memref_slice %arg6[%add3A_187, %dma_start3A_188] : memref<80x128xi32, #tpu.memory_space<vmem>> -> memref<1x128xi32, #tpu.memory_space<vmem>>
      %dma_start3A_190 = tpu.memref_squeeze %dma_start3A_189 : memref<1x128xi32, #tpu.memory_space<vmem>> -> memref<128xi32, #tpu.memory_space<vmem>>
      %dma_start3A_191 = arith.constant 0 : i32
      %dma_start3A_192 = arith.constant 0 : i32
      %dma_start3A_193 = tpu.memref_slice %arg2[%dma_start3A_191, %dma_start3A_192] : memref<10240x128xbf16, #tpu.memory_space<hbm>> -> memref<10240x128xbf16, #tpu.memory_space<hbm>>
      tpu.enqueue_indirect_dma source(%dma_start3A_193 : memref<10240x128xbf16, #tpu.memory_space<hbm>>) target(%arg11 : memref<128x128xbf16, #tpu.memory_space<vmem>>) offsets(%dma_start3A_190 : memref<128xi32, #tpu.memory_space<vmem>>) semaphore(%arg17 : memref<!tpu.dma_semaphore, #tpu.memory_space<semaphore_mem>>)
    }
    %scan3A_72 = arith.constant 19 : i32
    %dma_wait3A_73 = arith.constant 76 : i32
    %dma_wait3A_74 = arith.constant 0 : i32
    %dma_wait3A_75 = tpu.memref_slice %arg6[%dma_wait3A_73, %dma_wait3A_74] : memref<80x128xi32, #tpu.memory_space<vmem>> -> memref<1x128xi32, #tpu.memory_space<vmem>>
    %dma_wait3A_76 = tpu.memref_squeeze %dma_wait3A_75 : memref<1x128xi32, #tpu.memory_space<vmem>> -> memref<128xi32, #tpu.memory_space<vmem>>
    %dma_wait3A_77 = arith.constant 0 : i32
    %dma_wait3A_78 = arith.constant 0 : i32
    %dma_wait3A_79 = tpu.memref_slice %arg2[%dma_wait3A_77, %dma_wait3A_78] : memref<10240x128xbf16, #tpu.memory_space<hbm>> -> memref<10240x128xbf16, #tpu.memory_space<hbm>>
    tpu.wait_indirect_dma semaphore(%arg14 : memref<!tpu.dma_semaphore, #tpu.memory_space<semaphore_mem>>) src(%dma_wait3A_79 : memref<10240x128xbf16, #tpu.memory_space<hbm>>) dst(%arg8 : memref<128x128xbf16, #tpu.memory_space<vmem>>)
    %run_scoped3A = arith.constant 76 : i32
    "tpu.region"() ({
      %run_scoped3A_109 = tpu.sem_alloc : memref<!tpu.dma_semaphore, #tpu.memory_space<semaphore_mem>>
      %dma_start3A_110 = arith.constant 0 : i32
      %dma_start3A_111 = tpu.memref_slice %arg7[%run_scoped3A, %dma_start3A_110] : memref<80x128xi32, #tpu.memory_space<vmem>> -> memref<1x128xi32, #tpu.memory_space<vmem>>
      %dma_start3A_112 = tpu.memref_squeeze %dma_start3A_111 : memref<1x128xi32, #tpu.memory_space<vmem>> -> memref<128xi32, #tpu.memory_space<vmem>>
      %dma_start3A_113 = arith.constant 0 : i32
      %dma_start3A_114 = arith.constant 0 : i32
      %dma_start3A_115 = tpu.memref_slice %arg13[%dma_start3A_113, %dma_start3A_114] : memref<10240x128xbf16, #tpu.memory_space<vmem_shared>> -> memref<10240x128xbf16, #tpu.memory_space<vmem_shared>>
      tpu.enqueue_indirect_dma source(%arg8 : memref<128x128xbf16, #tpu.memory_space<vmem>>) target(%dma_start3A_115 : memref<10240x128xbf16, #tpu.memory_space<vmem_shared>>) offsets(%dma_start3A_112 : memref<128xi32, #tpu.memory_space<vmem>>) semaphore(%run_scoped3A_109 : memref<!tpu.dma_semaphore, #tpu.memory_space<semaphore_mem>>) {add = true}
      %dma_wait3A_116 = arith.constant 0 : i32
      %dma_wait3A_117 = tpu.memref_slice %arg7[%run_scoped3A, %dma_wait3A_116] : memref<80x128xi32, #tpu.memory_space<vmem>> -> memref<1x128xi32, #tpu.memory_space<vmem>>
      %dma_wait3A_118 = tpu.memref_squeeze %dma_wait3A_117 : memref<1x128xi32, #tpu.memory_space<vmem>> -> memref<128xi32, #tpu.memory_space<vmem>>
      %dma_wait3A_119 = arith.constant 0 : i32
      %dma_wait3A_120 = arith.constant 0 : i32
      %dma_wait3A_121 = tpu.memref_slice %arg13[%dma_wait3A_119, %dma_wait3A_120] : memref<10240x128xbf16, #tpu.memory_space<vmem_shared>> -> memref<10240x128xbf16, #tpu.memory_space<vmem_shared>>
      tpu.wait_indirect_dma semaphore(%run_scoped3A_109 : memref<!tpu.dma_semaphore, #tpu.memory_space<semaphore_mem>>) src(%arg8 : memref<128x128xbf16, #tpu.memory_space<vmem>>) dst(%dma_wait3A_121 : memref<10240x128xbf16, #tpu.memory_space<vmem_shared>>)
      tpu.yield
    }) : () -> ()
    %dma_wait3A_80 = arith.constant 77 : i32
    %dma_wait3A_81 = arith.constant 0 : i32
    %dma_wait3A_82 = tpu.memref_slice %arg6[%dma_wait3A_80, %dma_wait3A_81] : memref<80x128xi32, #tpu.memory_space<vmem>> -> memref<1x128xi32, #tpu.memory_space<vmem>>
    %dma_wait3A_83 = tpu.memref_squeeze %dma_wait3A_82 : memref<1x128xi32, #tpu.memory_space<vmem>> -> memref<128xi32, #tpu.memory_space<vmem>>
    %dma_wait3A_84 = arith.constant 0 : i32
    %dma_wait3A_85 = arith.constant 0 : i32
    %dma_wait3A_86 = tpu.memref_slice %arg2[%dma_wait3A_84, %dma_wait3A_85] : memref<10240x128xbf16, #tpu.memory_space<hbm>> -> memref<10240x128xbf16, #tpu.memory_space<hbm>>
    tpu.wait_indirect_dma semaphore(%arg15 : memref<!tpu.dma_semaphore, #tpu.memory_space<semaphore_mem>>) src(%dma_wait3A_86 : memref<10240x128xbf16, #tpu.memory_space<hbm>>) dst(%arg9 : memref<128x128xbf16, #tpu.memory_space<vmem>>)
    %run_scoped3A_87 = arith.constant 77 : i32
    "tpu.region"() ({
      %run_scoped3A_109 = tpu.sem_alloc : memref<!tpu.dma_semaphore, #tpu.memory_space<semaphore_mem>>
      %dma_start3A_110 = arith.constant 0 : i32
      %dma_start3A_111 = tpu.memref_slice %arg7[%run_scoped3A_87, %dma_start3A_110] : memref<80x128xi32, #tpu.memory_space<vmem>> -> memref<1x128xi32, #tpu.memory_space<vmem>>
      %dma_start3A_112 = tpu.memref_squeeze %dma_start3A_111 : memref<1x128xi32, #tpu.memory_space<vmem>> -> memref<128xi32, #tpu.memory_space<vmem>>
      %dma_start3A_113 = arith.constant 0 : i32
      %dma_start3A_114 = arith.constant 0 : i32
      %dma_start3A_115 = tpu.memref_slice %arg13[%dma_start3A_113, %dma_start3A_114] : memref<10240x128xbf16, #tpu.memory_space<vmem_shared>> -> memref<10240x128xbf16, #tpu.memory_space<vmem_shared>>
      tpu.enqueue_indirect_dma source(%arg9 : memref<128x128xbf16, #tpu.memory_space<vmem>>) target(%dma_start3A_115 : memref<10240x128xbf16, #tpu.memory_space<vmem_shared>>) offsets(%dma_start3A_112 : memref<128xi32, #tpu.memory_space<vmem>>) semaphore(%run_scoped3A_109 : memref<!tpu.dma_semaphore, #tpu.memory_space<semaphore_mem>>) {add = true}
      %dma_wait3A_116 = arith.constant 0 : i32
      %dma_wait3A_117 = tpu.memref_slice %arg7[%run_scoped3A_87, %dma_wait3A_116] : memref<80x128xi32, #tpu.memory_space<vmem>> -> memref<1x128xi32, #tpu.memory_space<vmem>>
      %dma_wait3A_118 = tpu.memref_squeeze %dma_wait3A_117 : memref<1x128xi32, #tpu.memory_space<vmem>> -> memref<128xi32, #tpu.memory_space<vmem>>
      %dma_wait3A_119 = arith.constant 0 : i32
      %dma_wait3A_120 = arith.constant 0 : i32
      %dma_wait3A_121 = tpu.memref_slice %arg13[%dma_wait3A_119, %dma_wait3A_120] : memref<10240x128xbf16, #tpu.memory_space<vmem_shared>> -> memref<10240x128xbf16, #tpu.memory_space<vmem_shared>>
      tpu.wait_indirect_dma semaphore(%run_scoped3A_109 : memref<!tpu.dma_semaphore, #tpu.memory_space<semaphore_mem>>) src(%arg9 : memref<128x128xbf16, #tpu.memory_space<vmem>>) dst(%dma_wait3A_121 : memref<10240x128xbf16, #tpu.memory_space<vmem_shared>>)
      tpu.yield
    }) : () -> ()
    %dma_wait3A_88 = arith.constant 78 : i32
    %dma_wait3A_89 = arith.constant 0 : i32
    %dma_wait3A_90 = tpu.memref_slice %arg6[%dma_wait3A_88, %dma_wait3A_89] : memref<80x128xi32, #tpu.memory_space<vmem>> -> memref<1x128xi32, #tpu.memory_space<vmem>>
    %dma_wait3A_91 = tpu.memref_squeeze %dma_wait3A_90 : memref<1x128xi32, #tpu.memory_space<vmem>> -> memref<128xi32, #tpu.memory_space<vmem>>
    %dma_wait3A_92 = arith.constant 0 : i32
    %dma_wait3A_93 = arith.constant 0 : i32
    %dma_wait3A_94 = tpu.memref_slice %arg2[%dma_wait3A_92, %dma_wait3A_93] : memref<10240x128xbf16, #tpu.memory_space<hbm>> -> memref<10240x128xbf16, #tpu.memory_space<hbm>>
    tpu.wait_indirect_dma semaphore(%arg16 : memref<!tpu.dma_semaphore, #tpu.memory_space<semaphore_mem>>) src(%dma_wait3A_94 : memref<10240x128xbf16, #tpu.memory_space<hbm>>) dst(%arg10 : memref<128x128xbf16, #tpu.memory_space<vmem>>)
    %run_scoped3A_95 = arith.constant 78 : i32
    "tpu.region"() ({
      %run_scoped3A_109 = tpu.sem_alloc : memref<!tpu.dma_semaphore, #tpu.memory_space<semaphore_mem>>
      %dma_start3A_110 = arith.constant 0 : i32
      %dma_start3A_111 = tpu.memref_slice %arg7[%run_scoped3A_95, %dma_start3A_110] : memref<80x128xi32, #tpu.memory_space<vmem>> -> memref<1x128xi32, #tpu.memory_space<vmem>>
      %dma_start3A_112 = tpu.memref_squeeze %dma_start3A_111 : memref<1x128xi32, #tpu.memory_space<vmem>> -> memref<128xi32, #tpu.memory_space<vmem>>
      %dma_start3A_113 = arith.constant 0 : i32
      %dma_start3A_114 = arith.constant 0 : i32
      %dma_start3A_115 = tpu.memref_slice %arg13[%dma_start3A_113, %dma_start3A_114] : memref<10240x128xbf16, #tpu.memory_space<vmem_shared>> -> memref<10240x128xbf16, #tpu.memory_space<vmem_shared>>
      tpu.enqueue_indirect_dma source(%arg10 : memref<128x128xbf16, #tpu.memory_space<vmem>>) target(%dma_start3A_115 : memref<10240x128xbf16, #tpu.memory_space<vmem_shared>>) offsets(%dma_start3A_112 : memref<128xi32, #tpu.memory_space<vmem>>) semaphore(%run_scoped3A_109 : memref<!tpu.dma_semaphore, #tpu.memory_space<semaphore_mem>>) {add = true}
      %dma_wait3A_116 = arith.constant 0 : i32
      %dma_wait3A_117 = tpu.memref_slice %arg7[%run_scoped3A_95, %dma_wait3A_116] : memref<80x128xi32, #tpu.memory_space<vmem>> -> memref<1x128xi32, #tpu.memory_space<vmem>>
      %dma_wait3A_118 = tpu.memref_squeeze %dma_wait3A_117 : memref<1x128xi32, #tpu.memory_space<vmem>> -> memref<128xi32, #tpu.memory_space<vmem>>
      %dma_wait3A_119 = arith.constant 0 : i32
      %dma_wait3A_120 = arith.constant 0 : i32
      %dma_wait3A_121 = tpu.memref_slice %arg13[%dma_wait3A_119, %dma_wait3A_120] : memref<10240x128xbf16, #tpu.memory_space<vmem_shared>> -> memref<10240x128xbf16, #tpu.memory_space<vmem_shared>>
      tpu.wait_indirect_dma semaphore(%run_scoped3A_109 : memref<!tpu.dma_semaphore, #tpu.memory_space<semaphore_mem>>) src(%arg10 : memref<128x128xbf16, #tpu.memory_space<vmem>>) dst(%dma_wait3A_121 : memref<10240x128xbf16, #tpu.memory_space<vmem_shared>>)
      tpu.yield
    }) : () -> ()
    %dma_wait3A_96 = arith.constant 79 : i32
    %dma_wait3A_97 = arith.constant 0 : i32
    %dma_wait3A_98 = tpu.memref_slice %arg6[%dma_wait3A_96, %dma_wait3A_97] : memref<80x128xi32, #tpu.memory_space<vmem>> -> memref<1x128xi32, #tpu.memory_space<vmem>>
    %dma_wait3A_99 = tpu.memref_squeeze %dma_wait3A_98 : memref<1x128xi32, #tpu.memory_space<vmem>> -> memref<128xi32, #tpu.memory_space<vmem>>
    %dma_wait3A_100 = arith.constant 0 : i32
    %dma_wait3A_101 = arith.constant 0 : i32
    %dma_wait3A_102 = tpu.memref_slice %arg2[%dma_wait3A_100, %dma_wait3A_101] : memref<10240x128xbf16, #tpu.memory_space<hbm>> -> memref<10240x128xbf16, #tpu.memory_space<hbm>>
    tpu.wait_indirect_dma semaphore(%arg17 : memref<!tpu.dma_semaphore, #tpu.memory_space<semaphore_mem>>) src(%dma_wait3A_102 : memref<10240x128xbf16, #tpu.memory_space<hbm>>) dst(%arg11 : memref<128x128xbf16, #tpu.memory_space<vmem>>)
    %run_scoped3A_103 = arith.constant 79 : i32
    "tpu.region"() ({
      %run_scoped3A_109 = tpu.sem_alloc : memref<!tpu.dma_semaphore, #tpu.memory_space<semaphore_mem>>
      %dma_start3A_110 = arith.constant 0 : i32
      %dma_start3A_111 = tpu.memref_slice %arg7[%run_scoped3A_103, %dma_start3A_110] : memref<80x128xi32, #tpu.memory_space<vmem>> -> memref<1x128xi32, #tpu.memory_space<vmem>>
      %dma_start3A_112 = tpu.memref_squeeze %dma_start3A_111 : memref<1x128xi32, #tpu.memory_space<vmem>> -> memref<128xi32, #tpu.memory_space<vmem>>
      %dma_start3A_113 = arith.constant 0 : i32
      %dma_start3A_114 = arith.constant 0 : i32
      %dma_start3A_115 = tpu.memref_slice %arg13[%dma_start3A_113, %dma_start3A_114] : memref<10240x128xbf16, #tpu.memory_space<vmem_shared>> -> memref<10240x128xbf16, #tpu.memory_space<vmem_shared>>
      tpu.enqueue_indirect_dma source(%arg11 : memref<128x128xbf16, #tpu.memory_space<vmem>>) target(%dma_start3A_115 : memref<10240x128xbf16, #tpu.memory_space<vmem_shared>>) offsets(%dma_start3A_112 : memref<128xi32, #tpu.memory_space<vmem>>) semaphore(%run_scoped3A_109 : memref<!tpu.dma_semaphore, #tpu.memory_space<semaphore_mem>>) {add = true}
      %dma_wait3A_116 = arith.constant 0 : i32
      %dma_wait3A_117 = tpu.memref_slice %arg7[%run_scoped3A_103, %dma_wait3A_116] : memref<80x128xi32, #tpu.memory_space<vmem>> -> memref<1x128xi32, #tpu.memory_space<vmem>>
      %dma_wait3A_118 = tpu.memref_squeeze %dma_wait3A_117 : memref<1x128xi32, #tpu.memory_space<vmem>> -> memref<128xi32, #tpu.memory_space<vmem>>
      %dma_wait3A_119 = arith.constant 0 : i32
      %dma_wait3A_120 = arith.constant 0 : i32
      %dma_wait3A_121 = tpu.memref_slice %arg13[%dma_wait3A_119, %dma_wait3A_120] : memref<10240x128xbf16, #tpu.memory_space<vmem_shared>> -> memref<10240x128xbf16, #tpu.memory_space<vmem_shared>>
      tpu.wait_indirect_dma semaphore(%run_scoped3A_109 : memref<!tpu.dma_semaphore, #tpu.memory_space<semaphore_mem>>) src(%arg11 : memref<128x128xbf16, #tpu.memory_space<vmem>>) dst(%dma_wait3A_121 : memref<10240x128xbf16, #tpu.memory_space<vmem_shared>>)
      tpu.yield
    }) : () -> ()
    %barrier3A_104 = arith.constant 0 : index
    tpu.barrier barrier_id(%barrier3A_104)
    %mul3A_105 = arith.constant 640 : i32
    %mul3A_106 = arith.muli %arg1, %mul3A_105 : i32
    %mul3A_107 = arith.constant 640 : i32
    %mul3A_108 = arith.muli %arg1, %mul3A_107 : i32
    "tpu.region"() ({
      %run_scoped3A_109 = tpu.sem_alloc : memref<!tpu.dma_semaphore, #tpu.memory_space<semaphore_mem>>
      %dma_start3A_110 = arith.constant 0 : i32
      %dma_start3A_111 = tpu.memref_slice %arg5[%arg0, %mul3A_108, %dma_start3A_110] : memref<2x10240x128xbf16, #tpu.memory_space<hbm>> -> memref<1x640x128xbf16, #tpu.memory_space<hbm>>
      %dma_start3A_112 = tpu.memref_squeeze %dma_start3A_111 : memref<1x640x128xbf16, #tpu.memory_space<hbm>> -> memref<640x128xbf16, #tpu.memory_space<hbm>>
      %dma_start3A_113 = arith.constant 0 : i32
      %dma_start3A_114 = tpu.memref_slice %arg13[%mul3A_106, %dma_start3A_113] : memref<10240x128xbf16, #tpu.memory_space<vmem_shared>> -> memref<640x128xbf16, #tpu.memory_space<vmem_shared>>
      tpu.enqueue_dma source(%dma_start3A_114 : memref<640x128xbf16, #tpu.memory_space<vmem_shared>>) target(%dma_start3A_112 : memref<640x128xbf16, #tpu.memory_space<hbm>>) target_semaphore(%run_scoped3A_109 : memref<!tpu.dma_semaphore, #tpu.memory_space<semaphore_mem>>)
      %dma_wait3A_115 = arith.constant 0 : i32
      %dma_wait3A_116 = tpu.memref_slice %arg5[%arg0, %mul3A_108, %dma_wait3A_115] : memref<2x10240x128xbf16, #tpu.memory_space<hbm>> -> memref<1x640x128xbf16, #tpu.memory_space<hbm>>
      %dma_wait3A_117 = tpu.memref_squeeze %dma_wait3A_116 : memref<1x640x128xbf16, #tpu.memory_space<hbm>> -> memref<640x128xbf16, #tpu.memory_space<hbm>>
      %dma_wait3A_118 = arith.constant 0 : i32
      %dma_wait3A_119 = tpu.memref_slice %arg13[%mul3A_106, %dma_wait3A_118] : memref<10240x128xbf16, #tpu.memory_space<vmem_shared>> -> memref<640x128xbf16, #tpu.memory_space<vmem_shared>>
      tpu.wait_dma2 semaphore(%run_scoped3A_109 : memref<!tpu.dma_semaphore, #tpu.memory_space<semaphore_mem>>) src(%dma_wait3A_119 : memref<640x128xbf16, #tpu.memory_space<vmem_shared>>) dst(%dma_wait3A_117 : memref<640x128xbf16, #tpu.memory_space<hbm>>)
      tpu.yield
    }) : () -> ()
    return
  }
}

#map = affine_map<(d0, d1) -> (0, 0)>
#map1 = affine_map<(d0, d1) -> (0, 0, 0)>
module attributes {stable_mosaic.version = 14 : i64} {
  func.func @_scatter(%arg0: i32, %arg1: i32, %arg2: memref<10240x64xbf16, #tpu.memory_space<hbm>>, %arg3: memref<32x80x128xi32, #tpu.memory_space<hbm>>, %arg4: memref<32x80x128xi32, #tpu.memory_space<hbm>>, %arg5: memref<2x10240x64xbf16, #tpu.memory_space<hbm>>, %arg6: memref<80x128xi32, #tpu.memory_space<vmem>>, %arg7: memref<80x128xi32, #tpu.memory_space<vmem>>, %arg8: memref<128x64xbf16, #tpu.memory_space<vmem>>, %arg9: memref<128x64xbf16, #tpu.memory_space<vmem>>, %arg10: memref<128x64xbf16, #tpu.memory_space<vmem>>, %arg11: memref<128x64xbf16, #tpu.memory_space<vmem>>, %arg12: memref<64x64xbf16, #tpu.memory_space<vmem>>, %arg13: memref<10240x64xbf16, #tpu.memory_space<vmem_shared>>, %arg14: memref<!tpu.dma_semaphore, #tpu.memory_space<semaphore_mem>>, %arg15: memref<!tpu.dma_semaphore, #tpu.memory_space<semaphore_mem>>, %arg16: memref<!tpu.dma_semaphore, #tpu.memory_space<semaphore_mem>>, %arg17: memref<!tpu.dma_semaphore, #tpu.memory_space<semaphore_mem>>, %arg18: memref<!tpu.dma_semaphore, #tpu.memory_space<semaphore_mem>>) attributes {dimension_semantics = [#tpu.dimension_semantics<core_parallel>, #tpu.dimension_semantics<subcore_parallel>], iteration_bounds = array<i64: 2, 16>, scalar_prefetch = 0 : i64, scratch_operands = 13 : i64, tpu.core_type = #tpu.core_type<sc_vector_subcore>, window_params = [{transform_indices = #map}, {transform_indices = #map1}, {transform_indices = #map1}, {transform_indices = #map1}]} {
    %mul3A = arith.constant 2 : i32
    %mul3A_0 = arith.muli %arg1, %mul3A : i32
    %add3A = arith.addi %mul3A_0, %arg0 : i32
    %scan3A = arith.constant 0 : i32
    %scan3A_1 = arith.constant 64 : i32
    %scan3A_2 = arith.addi %scan3A, %scan3A_1 : i32
    %scan3A_3 = arith.constant 1 : i32
    scf.for %scan3A_109 = %scan3A to %scan3A_2 step %scan3A_3  : i32 {
      %mul3A_110 = arith.constant 1 : i32
      %mul3A_111 = arith.muli %scan3A_109, %mul3A_110 : i32
      %add3A_112 = arith.constant 0 : i32
      %add3A_113 = arith.addi %add3A_112, %mul3A_111 : i32
      %scan3A_114 = arith.constant 0 : i32
      %scan3A_115 = arith.constant 2 : i32
      %scan3A_116 = arith.addi %scan3A_114, %scan3A_115 : i32
      %scan3A_117 = arith.constant 1 : i32
      scf.for %scan3A_119 = %scan3A_114 to %scan3A_116 step %scan3A_117  : i32 {
        %mul3A_120 = arith.constant 32 : i32
        %mul3A_121 = arith.muli %scan3A_119, %mul3A_120 : i32
        %add3A_122 = arith.constant 0 : i32
        %add3A_123 = arith.addi %add3A_122, %mul3A_121 : i32
        %broadcast_in_dim3A = arith.constant 0.000000e+00 : bf16
        %broadcast_in_dim3A_124 = vector.broadcast %broadcast_in_dim3A : bf16 to vector<32xbf16>
        %swap3A = arith.index_cast %add3A_113 : i32 to index
        %swap3A_125 = arith.index_cast %add3A_123 : i32 to index
        %swap3A_126 = tpu.vector_load %arg12[%swap3A, %swap3A_125] {strides = array<i32>} : memref<64x64xbf16, #tpu.memory_space<vmem>>, vector<1x32xbf16>,
        %swap3A_127 = vector.shape_cast %swap3A_126 : vector<1x32xbf16> to vector<32xbf16>
        %swap3A_128 = vector.shape_cast %broadcast_in_dim3A_124 : vector<32xbf16> to vector<1x32xbf16>
        tpu.vector_store %arg12[%swap3A, %swap3A_125], %swap3A_128 {strides = array<i32>} : memref<64x64xbf16, #tpu.memory_space<vmem>>, vector<1x32xbf16>,
      }
      %scan3A_118 = arith.constant 2 : i32
    }
    %scan3A_4 = arith.constant 64 : i32
    %scan3A_5 = arith.constant 0 : i32
    %scan3A_6 = arith.constant 10 : i32
    %scan3A_7 = arith.addi %scan3A_5, %scan3A_6 : i32
    %scan3A_8 = arith.constant 1 : i32
    scf.for %scan3A_109 = %scan3A_5 to %scan3A_7 step %scan3A_8  : i32 {
      %mul3A_110 = arith.constant 1 : i32
      %mul3A_111 = arith.muli %scan3A_109, %mul3A_110 : i32
      %add3A_112 = arith.constant 0 : i32
      %add3A_113 = arith.addi %add3A_112, %mul3A_111 : i32
      %mul3A_114 = arith.constant 640 : i32
      %mul3A_115 = arith.muli %arg1, %mul3A_114 : i32
      %mul3A_116 = arith.constant 64 : i32
      %mul3A_117 = arith.muli %add3A_113, %mul3A_116 : i32
      %add3A_118 = arith.addi %mul3A_115, %mul3A_117 : i32
      "tpu.region"() ({
        %run_scoped3A_119 = tpu.sem_alloc : memref<!tpu.dma_semaphore, #tpu.memory_space<semaphore_mem>>
        %dma_start3A_120 = arith.constant 0 : i32
        %dma_start3A_121 = tpu.memref_slice %arg13[%add3A_118, %dma_start3A_120] : memref<10240x64xbf16, #tpu.memory_space<vmem_shared>> -> memref<64x64xbf16, #tpu.memory_space<vmem_shared>>
        %dma_start3A_122 = arith.constant 0 : i32
        %dma_start3A_123 = tpu.memref_slice %arg13[%add3A_118, %dma_start3A_122] : memref<10240x64xbf16, #tpu.memory_space<vmem_shared>> -> memref<64x64xbf16, #tpu.memory_space<vmem_shared>>
        tpu.enqueue_dma source(%arg12 : memref<64x64xbf16, #tpu.memory_space<vmem>>) target(%dma_start3A_123 : memref<64x64xbf16, #tpu.memory_space<vmem_shared>>) target_semaphore(%run_scoped3A_119 : memref<!tpu.dma_semaphore, #tpu.memory_space<semaphore_mem>>)
        %dma_wait3A_124 = arith.constant 0 : i32
        %dma_wait3A_125 = tpu.memref_slice %arg13[%add3A_118, %dma_wait3A_124] : memref<10240x64xbf16, #tpu.memory_space<vmem_shared>> -> memref<64x64xbf16, #tpu.memory_space<vmem_shared>>
        %dma_wait3A_126 = arith.constant 0 : i32
        %dma_wait3A_127 = tpu.memref_slice %arg13[%add3A_118, %dma_wait3A_126] : memref<10240x64xbf16, #tpu.memory_space<vmem_shared>> -> memref<64x64xbf16, #tpu.memory_space<vmem_shared>>
        tpu.wait_dma2 semaphore(%run_scoped3A_119 : memref<!tpu.dma_semaphore, #tpu.memory_space<semaphore_mem>>) src(%arg12 : memref<64x64xbf16, #tpu.memory_space<vmem>>) dst(%dma_wait3A_127 : memref<64x64xbf16, #tpu.memory_space<vmem_shared>>)
        tpu.yield
      }) : () -> ()
    }
    %scan3A_9 = arith.constant 10 : i32
    %dma_start3A = arith.constant 0 : i32
    %dma_start3A_10 = arith.constant 0 : i32
    %dma_start3A_11 = tpu.memref_slice %arg3[%add3A, %dma_start3A, %dma_start3A_10] : memref<32x80x128xi32, #tpu.memory_space<hbm>> -> memref<1x80x128xi32, #tpu.memory_space<hbm>>
    %dma_start3A_12 = tpu.memref_squeeze %dma_start3A_11 : memref<1x80x128xi32, #tpu.memory_space<hbm>> -> memref<80x128xi32, #tpu.memory_space<hbm>>
    %dma_start3A_13 = arith.constant 0 : i32
    %dma_start3A_14 = arith.constant 0 : i32
    %dma_start3A_15 = tpu.memref_slice %arg3[%add3A, %dma_start3A_13, %dma_start3A_14] : memref<32x80x128xi32, #tpu.memory_space<hbm>> -> memref<1x80x128xi32, #tpu.memory_space<hbm>>
    %dma_start3A_16 = tpu.memref_squeeze %dma_start3A_15 : memref<1x80x128xi32, #tpu.memory_space<hbm>> -> memref<80x128xi32, #tpu.memory_space<hbm>>
    tpu.enqueue_dma source(%dma_start3A_16 : memref<80x128xi32, #tpu.memory_space<hbm>>) target(%arg6 : memref<80x128xi32, #tpu.memory_space<vmem>>) target_semaphore(%arg18 : memref<!tpu.dma_semaphore, #tpu.memory_space<semaphore_mem>>)
    %dma_start3A_17 = arith.constant 0 : i32
    %dma_start3A_18 = arith.constant 0 : i32
    %dma_start3A_19 = tpu.memref_slice %arg4[%add3A, %dma_start3A_17, %dma_start3A_18] : memref<32x80x128xi32, #tpu.memory_space<hbm>> -> memref<1x80x128xi32, #tpu.memory_space<hbm>>
    %dma_start3A_20 = tpu.memref_squeeze %dma_start3A_19 : memref<1x80x128xi32, #tpu.memory_space<hbm>> -> memref<80x128xi32, #tpu.memory_space<hbm>>
    %dma_start3A_21 = arith.constant 0 : i32
    %dma_start3A_22 = arith.constant 0 : i32
    %dma_start3A_23 = tpu.memref_slice %arg4[%add3A, %dma_start3A_21, %dma_start3A_22] : memref<32x80x128xi32, #tpu.memory_space<hbm>> -> memref<1x80x128xi32, #tpu.memory_space<hbm>>
    %dma_start3A_24 = tpu.memref_squeeze %dma_start3A_23 : memref<1x80x128xi32, #tpu.memory_space<hbm>> -> memref<80x128xi32, #tpu.memory_space<hbm>>
    tpu.enqueue_dma source(%dma_start3A_24 : memref<80x128xi32, #tpu.memory_space<hbm>>) target(%arg7 : memref<80x128xi32, #tpu.memory_space<vmem>>) target_semaphore(%arg18 : memref<!tpu.dma_semaphore, #tpu.memory_space<semaphore_mem>>)
    %dma_wait3A = arith.constant 0 : i32
    %dma_wait3A_25 = arith.constant 0 : i32
    %dma_wait3A_26 = tpu.memref_slice %arg3[%add3A, %dma_wait3A, %dma_wait3A_25] : memref<32x80x128xi32, #tpu.memory_space<hbm>> -> memref<1x80x128xi32, #tpu.memory_space<hbm>>
    %dma_wait3A_27 = tpu.memref_squeeze %dma_wait3A_26 : memref<1x80x128xi32, #tpu.memory_space<hbm>> -> memref<80x128xi32, #tpu.memory_space<hbm>>
    %dma_wait3A_28 = arith.constant 0 : i32
    %dma_wait3A_29 = arith.constant 0 : i32
    %dma_wait3A_30 = tpu.memref_slice %arg3[%add3A, %dma_wait3A_28, %dma_wait3A_29] : memref<32x80x128xi32, #tpu.memory_space<hbm>> -> memref<1x80x128xi32, #tpu.memory_space<hbm>>
    %dma_wait3A_31 = tpu.memref_squeeze %dma_wait3A_30 : memref<1x80x128xi32, #tpu.memory_space<hbm>> -> memref<80x128xi32, #tpu.memory_space<hbm>>
    tpu.wait_dma2 semaphore(%arg18 : memref<!tpu.dma_semaphore, #tpu.memory_space<semaphore_mem>>) src(%dma_wait3A_31 : memref<80x128xi32, #tpu.memory_space<hbm>>) dst(%arg6 : memref<80x128xi32, #tpu.memory_space<vmem>>)
    %dma_wait3A_32 = arith.constant 0 : i32
    %dma_wait3A_33 = arith.constant 0 : i32
    %dma_wait3A_34 = tpu.memref_slice %arg4[%add3A, %dma_wait3A_32, %dma_wait3A_33] : memref<32x80x128xi32, #tpu.memory_space<hbm>> -> memref<1x80x128xi32, #tpu.memory_space<hbm>>
    %dma_wait3A_35 = tpu.memref_squeeze %dma_wait3A_34 : memref<1x80x128xi32, #tpu.memory_space<hbm>> -> memref<80x128xi32, #tpu.memory_space<hbm>>
    %dma_wait3A_36 = arith.constant 0 : i32
    %dma_wait3A_37 = arith.constant 0 : i32
    %dma_wait3A_38 = tpu.memref_slice %arg4[%add3A, %dma_wait3A_36, %dma_wait3A_37] : memref<32x80x128xi32, #tpu.memory_space<hbm>> -> memref<1x80x128xi32, #tpu.memory_space<hbm>>
    %dma_wait3A_39 = tpu.memref_squeeze %dma_wait3A_38 : memref<1x80x128xi32, #tpu.memory_space<hbm>> -> memref<80x128xi32, #tpu.memory_space<hbm>>
    tpu.wait_dma2 semaphore(%arg18 : memref<!tpu.dma_semaphore, #tpu.memory_space<semaphore_mem>>) src(%dma_wait3A_39 : memref<80x128xi32, #tpu.memory_space<hbm>>) dst(%arg7 : memref<80x128xi32, #tpu.memory_space<vmem>>)
    %barrier3A = arith.constant 0 : index
    tpu.barrier barrier_id(%barrier3A)
    %dma_start3A_40 = arith.constant 0 : i32
    %dma_start3A_41 = arith.constant 0 : i32
    %dma_start3A_42 = tpu.memref_slice %arg6[%dma_start3A_40, %dma_start3A_41] : memref<80x128xi32, #tpu.memory_space<vmem>> -> memref<1x128xi32, #tpu.memory_space<vmem>>
    %dma_start3A_43 = tpu.memref_squeeze %dma_start3A_42 : memref<1x128xi32, #tpu.memory_space<vmem>> -> memref<128xi32, #tpu.memory_space<vmem>>
    %dma_start3A_44 = arith.constant 0 : i32
    %dma_start3A_45 = arith.constant 0 : i32
    %dma_start3A_46 = tpu.memref_slice %arg2[%dma_start3A_44, %dma_start3A_45] : memref<10240x64xbf16, #tpu.memory_space<hbm>> -> memref<10240x64xbf16, #tpu.memory_space<hbm>>
    tpu.enqueue_indirect_dma source(%dma_start3A_46 : memref<10240x64xbf16, #tpu.memory_space<hbm>>) target(%arg8 : memref<128x64xbf16, #tpu.memory_space<vmem>>) offsets(%dma_start3A_43 : memref<128xi32, #tpu.memory_space<vmem>>) semaphore(%arg14 : memref<!tpu.dma_semaphore, #tpu.memory_space<semaphore_mem>>)
    %dma_start3A_47 = arith.constant 1 : i32
    %dma_start3A_48 = arith.constant 0 : i32
    %dma_start3A_49 = tpu.memref_slice %arg6[%dma_start3A_47, %dma_start3A_48] : memref<80x128xi32, #tpu.memory_space<vmem>> -> memref<1x128xi32, #tpu.memory_space<vmem>>
    %dma_start3A_50 = tpu.memref_squeeze %dma_start3A_49 : memref<1x128xi32, #tpu.memory_space<vmem>> -> memref<128xi32, #tpu.memory_space<vmem>>
    %dma_start3A_51 = arith.constant 0 : i32
    %dma_start3A_52 = arith.constant 0 : i32
    %dma_start3A_53 = tpu.memref_slice %arg2[%dma_start3A_51, %dma_start3A_52] : memref<10240x64xbf16, #tpu.memory_space<hbm>> -> memref<10240x64xbf16, #tpu.memory_space<hbm>>
    tpu.enqueue_indirect_dma source(%dma_start3A_53 : memref<10240x64xbf16, #tpu.memory_space<hbm>>) target(%arg9 : memref<128x64xbf16, #tpu.memory_space<vmem>>) offsets(%dma_start3A_50 : memref<128xi32, #tpu.memory_space<vmem>>) semaphore(%arg15 : memref<!tpu.dma_semaphore, #tpu.memory_space<semaphore_mem>>)
    %dma_start3A_54 = arith.constant 2 : i32
    %dma_start3A_55 = arith.constant 0 : i32
    %dma_start3A_56 = tpu.memref_slice %arg6[%dma_start3A_54, %dma_start3A_55] : memref<80x128xi32, #tpu.memory_space<vmem>> -> memref<1x128xi32, #tpu.memory_space<vmem>>
    %dma_start3A_57 = tpu.memref_squeeze %dma_start3A_56 : memref<1x128xi32, #tpu.memory_space<vmem>> -> memref<128xi32, #tpu.memory_space<vmem>>
    %dma_start3A_58 = arith.constant 0 : i32
    %dma_start3A_59 = arith.constant 0 : i32
    %dma_start3A_60 = tpu.memref_slice %arg2[%dma_start3A_58, %dma_start3A_59] : memref<10240x64xbf16, #tpu.memory_space<hbm>> -> memref<10240x64xbf16, #tpu.memory_space<hbm>>
    tpu.enqueue_indirect_dma source(%dma_start3A_60 : memref<10240x64xbf16, #tpu.memory_space<hbm>>) target(%arg10 : memref<128x64xbf16, #tpu.memory_space<vmem>>) offsets(%dma_start3A_57 : memref<128xi32, #tpu.memory_space<vmem>>) semaphore(%arg16 : memref<!tpu.dma_semaphore, #tpu.memory_space<semaphore_mem>>)
    %dma_start3A_61 = arith.constant 3 : i32
    %dma_start3A_62 = arith.constant 0 : i32
    %dma_start3A_63 = tpu.memref_slice %arg6[%dma_start3A_61, %dma_start3A_62] : memref<80x128xi32, #tpu.memory_space<vmem>> -> memref<1x128xi32, #tpu.memory_space<vmem>>
    %dma_start3A_64 = tpu.memref_squeeze %dma_start3A_63 : memref<1x128xi32, #tpu.memory_space<vmem>> -> memref<128xi32, #tpu.memory_space<vmem>>
    %dma_start3A_65 = arith.constant 0 : i32
    %dma_start3A_66 = arith.constant 0 : i32
    %dma_start3A_67 = tpu.memref_slice %arg2[%dma_start3A_65, %dma_start3A_66] : memref<10240x64xbf16, #tpu.memory_space<hbm>> -> memref<10240x64xbf16, #tpu.memory_space<hbm>>
    tpu.enqueue_indirect_dma source(%dma_start3A_67 : memref<10240x64xbf16, #tpu.memory_space<hbm>>) target(%arg11 : memref<128x64xbf16, #tpu.memory_space<vmem>>) offsets(%dma_start3A_64 : memref<128xi32, #tpu.memory_space<vmem>>) semaphore(%arg17 : memref<!tpu.dma_semaphore, #tpu.memory_space<semaphore_mem>>)
    %scan3A_68 = arith.constant 0 : i32
    %scan3A_69 = arith.constant 19 : i32
    %scan3A_70 = arith.addi %scan3A_68, %scan3A_69 : i32
    %scan3A_71 = arith.constant 1 : i32
    scf.for %scan3A_109 = %scan3A_68 to %scan3A_70 step %scan3A_71  : i32 {
      %mul3A_110 = arith.constant 4 : i32
      %mul3A_111 = arith.muli %scan3A_109, %mul3A_110 : i32
      %add3A_112 = arith.constant 0 : i32
      %add3A_113 = arith.addi %add3A_112, %mul3A_111 : i32
      %add3A_114 = arith.constant 0 : i32
      %add3A_115 = arith.addi %add3A_113, %add3A_114 : i32
      %dma_wait3A_116 = arith.constant 0 : i32
      %dma_wait3A_117 = tpu.memref_slice %arg6[%add3A_115, %dma_wait3A_116] : memref<80x128xi32, #tpu.memory_space<vmem>> -> memref<1x128xi32, #tpu.memory_space<vmem>>
      %dma_wait3A_118 = tpu.memref_squeeze %dma_wait3A_117 : memref<1x128xi32, #tpu.memory_space<vmem>> -> memref<128xi32, #tpu.memory_space<vmem>>
      %dma_wait3A_119 = arith.constant 0 : i32
      %dma_wait3A_120 = arith.constant 0 : i32
      %dma_wait3A_121 = tpu.memref_slice %arg2[%dma_wait3A_119, %dma_wait3A_120] : memref<10240x64xbf16, #tpu.memory_space<hbm>> -> memref<10240x64xbf16, #tpu.memory_space<hbm>>
      tpu.wait_indirect_dma semaphore(%arg14 : memref<!tpu.dma_semaphore, #tpu.memory_space<semaphore_mem>>) src(%dma_wait3A_121 : memref<10240x64xbf16, #tpu.memory_space<hbm>>) dst(%arg8 : memref<128x64xbf16, #tpu.memory_space<vmem>>)
      %add3A_122 = arith.constant 0 : i32
      %add3A_123 = arith.addi %add3A_113, %add3A_122 : i32
      "tpu.region"() ({
        %run_scoped3A_194 = tpu.sem_alloc : memref<!tpu.dma_semaphore, #tpu.memory_space<semaphore_mem>>
        %dma_start3A_195 = arith.constant 0 : i32
        %dma_start3A_196 = tpu.memref_slice %arg7[%add3A_123, %dma_start3A_195] : memref<80x128xi32, #tpu.memory_space<vmem>> -> memref<1x128xi32, #tpu.memory_space<vmem>>
        %dma_start3A_197 = tpu.memref_squeeze %dma_start3A_196 : memref<1x128xi32, #tpu.memory_space<vmem>> -> memref<128xi32, #tpu.memory_space<vmem>>
        %dma_start3A_198 = arith.constant 0 : i32
        %dma_start3A_199 = arith.constant 0 : i32
        %dma_start3A_200 = tpu.memref_slice %arg13[%dma_start3A_198, %dma_start3A_199] : memref<10240x64xbf16, #tpu.memory_space<vmem_shared>> -> memref<10240x64xbf16, #tpu.memory_space<vmem_shared>>
        tpu.enqueue_indirect_dma source(%arg8 : memref<128x64xbf16, #tpu.memory_space<vmem>>) target(%dma_start3A_200 : memref<10240x64xbf16, #tpu.memory_space<vmem_shared>>) offsets(%dma_start3A_197 : memref<128xi32, #tpu.memory_space<vmem>>) semaphore(%run_scoped3A_194 : memref<!tpu.dma_semaphore, #tpu.memory_space<semaphore_mem>>) {add = true}
        %dma_wait3A_201 = arith.constant 0 : i32
        %dma_wait3A_202 = tpu.memref_slice %arg7[%add3A_123, %dma_wait3A_201] : memref<80x128xi32, #tpu.memory_space<vmem>> -> memref<1x128xi32, #tpu.memory_space<vmem>>
        %dma_wait3A_203 = tpu.memref_squeeze %dma_wait3A_202 : memref<1x128xi32, #tpu.memory_space<vmem>> -> memref<128xi32, #tpu.memory_space<vmem>>
        %dma_wait3A_204 = arith.constant 0 : i32
        %dma_wait3A_205 = arith.constant 0 : i32
        %dma_wait3A_206 = tpu.memref_slice %arg13[%dma_wait3A_204, %dma_wait3A_205] : memref<10240x64xbf16, #tpu.memory_space<vmem_shared>> -> memref<10240x64xbf16, #tpu.memory_space<vmem_shared>>
        tpu.wait_indirect_dma semaphore(%run_scoped3A_194 : memref<!tpu.dma_semaphore, #tpu.memory_space<semaphore_mem>>) src(%arg8 : memref<128x64xbf16, #tpu.memory_space<vmem>>) dst(%dma_wait3A_206 : memref<10240x64xbf16, #tpu.memory_space<vmem_shared>>)
        tpu.yield
      }) : () -> ()
      %add3A_124 = arith.constant 4 : i32
      %add3A_125 = arith.addi %add3A_113, %add3A_124 : i32
      %add3A_126 = arith.constant 0 : i32
      %add3A_127 = arith.addi %add3A_125, %add3A_126 : i32
      %dma_start3A_128 = arith.constant 0 : i32
      %dma_start3A_129 = tpu.memref_slice %arg6[%add3A_127, %dma_start3A_128] : memref<80x128xi32, #tpu.memory_space<vmem>> -> memref<1x128xi32, #tpu.memory_space<vmem>>
      %dma_start3A_130 = tpu.memref_squeeze %dma_start3A_129 : memref<1x128xi32, #tpu.memory_space<vmem>> -> memref<128xi32, #tpu.memory_space<vmem>>
      %dma_start3A_131 = arith.constant 0 : i32
      %dma_start3A_132 = arith.constant 0 : i32
      %dma_start3A_133 = tpu.memref_slice %arg2[%dma_start3A_131, %dma_start3A_132] : memref<10240x64xbf16, #tpu.memory_space<hbm>> -> memref<10240x64xbf16, #tpu.memory_space<hbm>>
      tpu.enqueue_indirect_dma source(%dma_start3A_133 : memref<10240x64xbf16, #tpu.memory_space<hbm>>) target(%arg8 : memref<128x64xbf16, #tpu.memory_space<vmem>>) offsets(%dma_start3A_130 : memref<128xi32, #tpu.memory_space<vmem>>) semaphore(%arg14 : memref<!tpu.dma_semaphore, #tpu.memory_space<semaphore_mem>>)
      %add3A_134 = arith.constant 1 : i32
      %add3A_135 = arith.addi %add3A_113, %add3A_134 : i32
      %dma_wait3A_136 = arith.constant 0 : i32
      %dma_wait3A_137 = tpu.memref_slice %arg6[%add3A_135, %dma_wait3A_136] : memref<80x128xi32, #tpu.memory_space<vmem>> -> memref<1x128xi32, #tpu.memory_space<vmem>>
      %dma_wait3A_138 = tpu.memref_squeeze %dma_wait3A_137 : memref<1x128xi32, #tpu.memory_space<vmem>> -> memref<128xi32, #tpu.memory_space<vmem>>
      %dma_wait3A_139 = arith.constant 0 : i32
      %dma_wait3A_140 = arith.constant 0 : i32
      %dma_wait3A_141 = tpu.memref_slice %arg2[%dma_wait3A_139, %dma_wait3A_140] : memref<10240x64xbf16, #tpu.memory_space<hbm>> -> memref<10240x64xbf16, #tpu.memory_space<hbm>>
      tpu.wait_indirect_dma semaphore(%arg15 : memref<!tpu.dma_semaphore, #tpu.memory_space<semaphore_mem>>) src(%dma_wait3A_141 : memref<10240x64xbf16, #tpu.memory_space<hbm>>) dst(%arg9 : memref<128x64xbf16, #tpu.memory_space<vmem>>)
      %add3A_142 = arith.constant 1 : i32
      %add3A_143 = arith.addi %add3A_113, %add3A_142 : i32
      "tpu.region"() ({
        %run_scoped3A_194 = tpu.sem_alloc : memref<!tpu.dma_semaphore, #tpu.memory_space<semaphore_mem>>
        %dma_start3A_195 = arith.constant 0 : i32
        %dma_start3A_196 = tpu.memref_slice %arg7[%add3A_143, %dma_start3A_195] : memref<80x128xi32, #tpu.memory_space<vmem>> -> memref<1x128xi32, #tpu.memory_space<vmem>>
        %dma_start3A_197 = tpu.memref_squeeze %dma_start3A_196 : memref<1x128xi32, #tpu.memory_space<vmem>> -> memref<128xi32, #tpu.memory_space<vmem>>
        %dma_start3A_198 = arith.constant 0 : i32
        %dma_start3A_199 = arith.constant 0 : i32
        %dma_start3A_200 = tpu.memref_slice %arg13[%dma_start3A_198, %dma_start3A_199] : memref<10240x64xbf16, #tpu.memory_space<vmem_shared>> -> memref<10240x64xbf16, #tpu.memory_space<vmem_shared>>
        tpu.enqueue_indirect_dma source(%arg9 : memref<128x64xbf16, #tpu.memory_space<vmem>>) target(%dma_start3A_200 : memref<10240x64xbf16, #tpu.memory_space<vmem_shared>>) offsets(%dma_start3A_197 : memref<128xi32, #tpu.memory_space<vmem>>) semaphore(%run_scoped3A_194 : memref<!tpu.dma_semaphore, #tpu.memory_space<semaphore_mem>>) {add = true}
        %dma_wait3A_201 = arith.constant 0 : i32
        %dma_wait3A_202 = tpu.memref_slice %arg7[%add3A_143, %dma_wait3A_201] : memref<80x128xi32, #tpu.memory_space<vmem>> -> memref<1x128xi32, #tpu.memory_space<vmem>>
        %dma_wait3A_203 = tpu.memref_squeeze %dma_wait3A_202 : memref<1x128xi32, #tpu.memory_space<vmem>> -> memref<128xi32, #tpu.memory_space<vmem>>
        %dma_wait3A_204 = arith.constant 0 : i32
        %dma_wait3A_205 = arith.constant 0 : i32
        %dma_wait3A_206 = tpu.memref_slice %arg13[%dma_wait3A_204, %dma_wait3A_205] : memref<10240x64xbf16, #tpu.memory_space<vmem_shared>> -> memref<10240x64xbf16, #tpu.memory_space<vmem_shared>>
        tpu.wait_indirect_dma semaphore(%run_scoped3A_194 : memref<!tpu.dma_semaphore, #tpu.memory_space<semaphore_mem>>) src(%arg9 : memref<128x64xbf16, #tpu.memory_space<vmem>>) dst(%dma_wait3A_206 : memref<10240x64xbf16, #tpu.memory_space<vmem_shared>>)
        tpu.yield
      }) : () -> ()
      %add3A_144 = arith.constant 4 : i32
      %add3A_145 = arith.addi %add3A_113, %add3A_144 : i32
      %add3A_146 = arith.constant 1 : i32
      %add3A_147 = arith.addi %add3A_145, %add3A_146 : i32
      %dma_start3A_148 = arith.constant 0 : i32
      %dma_start3A_149 = tpu.memref_slice %arg6[%add3A_147, %dma_start3A_148] : memref<80x128xi32, #tpu.memory_space<vmem>> -> memref<1x128xi32, #tpu.memory_space<vmem>>
      %dma_start3A_150 = tpu.memref_squeeze %dma_start3A_149 : memref<1x128xi32, #tpu.memory_space<vmem>> -> memref<128xi32, #tpu.memory_space<vmem>>
      %dma_start3A_151 = arith.constant 0 : i32
      %dma_start3A_152 = arith.constant 0 : i32
      %dma_start3A_153 = tpu.memref_slice %arg2[%dma_start3A_151, %dma_start3A_152] : memref<10240x64xbf16, #tpu.memory_space<hbm>> -> memref<10240x64xbf16, #tpu.memory_space<hbm>>
      tpu.enqueue_indirect_dma source(%dma_start3A_153 : memref<10240x64xbf16, #tpu.memory_space<hbm>>) target(%arg9 : memref<128x64xbf16, #tpu.memory_space<vmem>>) offsets(%dma_start3A_150 : memref<128xi32, #tpu.memory_space<vmem>>) semaphore(%arg15 : memref<!tpu.dma_semaphore, #tpu.memory_space<semaphore_mem>>)
      %add3A_154 = arith.constant 2 : i32
      %add3A_155 = arith.addi %add3A_113, %add3A_154 : i32
      %dma_wait3A_156 = arith.constant 0 : i32
      %dma_wait3A_157 = tpu.memref_slice %arg6[%add3A_155, %dma_wait3A_156] : memref<80x128xi32, #tpu.memory_space<vmem>> -> memref<1x128xi32, #tpu.memory_space<vmem>>
      %dma_wait3A_158 = tpu.memref_squeeze %dma_wait3A_157 : memref<1x128xi32, #tpu.memory_space<vmem>> -> memref<128xi32, #tpu.memory_space<vmem>>
      %dma_wait3A_159 = arith.constant 0 : i32
      %dma_wait3A_160 = arith.constant 0 : i32
      %dma_wait3A_161 = tpu.memref_slice %arg2[%dma_wait3A_159, %dma_wait3A_160] : memref<10240x64xbf16, #tpu.memory_space<hbm>> -> memref<10240x64xbf16, #tpu.memory_space<hbm>>
      tpu.wait_indirect_dma semaphore(%arg16 : memref<!tpu.dma_semaphore, #tpu.memory_space<semaphore_mem>>) src(%dma_wait3A_161 : memref<10240x64xbf16, #tpu.memory_space<hbm>>) dst(%arg10 : memref<128x64xbf16, #tpu.memory_space<vmem>>)
      %add3A_162 = arith.constant 2 : i32
      %add3A_163 = arith.addi %add3A_113, %add3A_162 : i32
      "tpu.region"() ({
        %run_scoped3A_194 = tpu.sem_alloc : memref<!tpu.dma_semaphore, #tpu.memory_space<semaphore_mem>>
        %dma_start3A_195 = arith.constant 0 : i32
        %dma_start3A_196 = tpu.memref_slice %arg7[%add3A_163, %dma_start3A_195] : memref<80x128xi32, #tpu.memory_space<vmem>> -> memref<1x128xi32, #tpu.memory_space<vmem>>
        %dma_start3A_197 = tpu.memref_squeeze %dma_start3A_196 : memref<1x128xi32, #tpu.memory_space<vmem>> -> memref<128xi32, #tpu.memory_space<vmem>>
        %dma_start3A_198 = arith.constant 0 : i32
        %dma_start3A_199 = arith.constant 0 : i32
        %dma_start3A_200 = tpu.memref_slice %arg13[%dma_start3A_198, %dma_start3A_199] : memref<10240x64xbf16, #tpu.memory_space<vmem_shared>> -> memref<10240x64xbf16, #tpu.memory_space<vmem_shared>>
        tpu.enqueue_indirect_dma source(%arg10 : memref<128x64xbf16, #tpu.memory_space<vmem>>) target(%dma_start3A_200 : memref<10240x64xbf16, #tpu.memory_space<vmem_shared>>) offsets(%dma_start3A_197 : memref<128xi32, #tpu.memory_space<vmem>>) semaphore(%run_scoped3A_194 : memref<!tpu.dma_semaphore, #tpu.memory_space<semaphore_mem>>) {add = true}
        %dma_wait3A_201 = arith.constant 0 : i32
        %dma_wait3A_202 = tpu.memref_slice %arg7[%add3A_163, %dma_wait3A_201] : memref<80x128xi32, #tpu.memory_space<vmem>> -> memref<1x128xi32, #tpu.memory_space<vmem>>
        %dma_wait3A_203 = tpu.memref_squeeze %dma_wait3A_202 : memref<1x128xi32, #tpu.memory_space<vmem>> -> memref<128xi32, #tpu.memory_space<vmem>>
        %dma_wait3A_204 = arith.constant 0 : i32
        %dma_wait3A_205 = arith.constant 0 : i32
        %dma_wait3A_206 = tpu.memref_slice %arg13[%dma_wait3A_204, %dma_wait3A_205] : memref<10240x64xbf16, #tpu.memory_space<vmem_shared>> -> memref<10240x64xbf16, #tpu.memory_space<vmem_shared>>
        tpu.wait_indirect_dma semaphore(%run_scoped3A_194 : memref<!tpu.dma_semaphore, #tpu.memory_space<semaphore_mem>>) src(%arg10 : memref<128x64xbf16, #tpu.memory_space<vmem>>) dst(%dma_wait3A_206 : memref<10240x64xbf16, #tpu.memory_space<vmem_shared>>)
        tpu.yield
      }) : () -> ()
      %add3A_164 = arith.constant 4 : i32
      %add3A_165 = arith.addi %add3A_113, %add3A_164 : i32
      %add3A_166 = arith.constant 2 : i32
      %add3A_167 = arith.addi %add3A_165, %add3A_166 : i32
      %dma_start3A_168 = arith.constant 0 : i32
      %dma_start3A_169 = tpu.memref_slice %arg6[%add3A_167, %dma_start3A_168] : memref<80x128xi32, #tpu.memory_space<vmem>> -> memref<1x128xi32, #tpu.memory_space<vmem>>
      %dma_start3A_170 = tpu.memref_squeeze %dma_start3A_169 : memref<1x128xi32, #tpu.memory_space<vmem>> -> memref<128xi32, #tpu.memory_space<vmem>>
      %dma_start3A_171 = arith.constant 0 : i32
      %dma_start3A_172 = arith.constant 0 : i32
      %dma_start3A_173 = tpu.memref_slice %arg2[%dma_start3A_171, %dma_start3A_172] : memref<10240x64xbf16, #tpu.memory_space<hbm>> -> memref<10240x64xbf16, #tpu.memory_space<hbm>>
      tpu.enqueue_indirect_dma source(%dma_start3A_173 : memref<10240x64xbf16, #tpu.memory_space<hbm>>) target(%arg10 : memref<128x64xbf16, #tpu.memory_space<vmem>>) offsets(%dma_start3A_170 : memref<128xi32, #tpu.memory_space<vmem>>) semaphore(%arg16 : memref<!tpu.dma_semaphore, #tpu.memory_space<semaphore_mem>>)
      %add3A_174 = arith.constant 3 : i32
      %add3A_175 = arith.addi %add3A_113, %add3A_174 : i32
      %dma_wait3A_176 = arith.constant 0 : i32
      %dma_wait3A_177 = tpu.memref_slice %arg6[%add3A_175, %dma_wait3A_176] : memref<80x128xi32, #tpu.memory_space<vmem>> -> memref<1x128xi32, #tpu.memory_space<vmem>>
      %dma_wait3A_178 = tpu.memref_squeeze %dma_wait3A_177 : memref<1x128xi32, #tpu.memory_space<vmem>> -> memref<128xi32, #tpu.memory_space<vmem>>
      %dma_wait3A_179 = arith.constant 0 : i32
      %dma_wait3A_180 = arith.constant 0 : i32
      %dma_wait3A_181 = tpu.memref_slice %arg2[%dma_wait3A_179, %dma_wait3A_180] : memref<10240x64xbf16, #tpu.memory_space<hbm>> -> memref<10240x64xbf16, #tpu.memory_space<hbm>>
      tpu.wait_indirect_dma semaphore(%arg17 : memref<!tpu.dma_semaphore, #tpu.memory_space<semaphore_mem>>) src(%dma_wait3A_181 : memref<10240x64xbf16, #tpu.memory_space<hbm>>) dst(%arg11 : memref<128x64xbf16, #tpu.memory_space<vmem>>)
      %add3A_182 = arith.constant 3 : i32
      %add3A_183 = arith.addi %add3A_113, %add3A_182 : i32
      "tpu.region"() ({
        %run_scoped3A_194 = tpu.sem_alloc : memref<!tpu.dma_semaphore, #tpu.memory_space<semaphore_mem>>
        %dma_start3A_195 = arith.constant 0 : i32
        %dma_start3A_196 = tpu.memref_slice %arg7[%add3A_183, %dma_start3A_195] : memref<80x128xi32, #tpu.memory_space<vmem>> -> memref<1x128xi32, #tpu.memory_space<vmem>>
        %dma_start3A_197 = tpu.memref_squeeze %dma_start3A_196 : memref<1x128xi32, #tpu.memory_space<vmem>> -> memref<128xi32, #tpu.memory_space<vmem>>
        %dma_start3A_198 = arith.constant 0 : i32
        %dma_start3A_199 = arith.constant 0 : i32
        %dma_start3A_200 = tpu.memref_slice %arg13[%dma_start3A_198, %dma_start3A_199] : memref<10240x64xbf16, #tpu.memory_space<vmem_shared>> -> memref<10240x64xbf16, #tpu.memory_space<vmem_shared>>
        tpu.enqueue_indirect_dma source(%arg11 : memref<128x64xbf16, #tpu.memory_space<vmem>>) target(%dma_start3A_200 : memref<10240x64xbf16, #tpu.memory_space<vmem_shared>>) offsets(%dma_start3A_197 : memref<128xi32, #tpu.memory_space<vmem>>) semaphore(%run_scoped3A_194 : memref<!tpu.dma_semaphore, #tpu.memory_space<semaphore_mem>>) {add = true}
        %dma_wait3A_201 = arith.constant 0 : i32
        %dma_wait3A_202 = tpu.memref_slice %arg7[%add3A_183, %dma_wait3A_201] : memref<80x128xi32, #tpu.memory_space<vmem>> -> memref<1x128xi32, #tpu.memory_space<vmem>>
        %dma_wait3A_203 = tpu.memref_squeeze %dma_wait3A_202 : memref<1x128xi32, #tpu.memory_space<vmem>> -> memref<128xi32, #tpu.memory_space<vmem>>
        %dma_wait3A_204 = arith.constant 0 : i32
        %dma_wait3A_205 = arith.constant 0 : i32
        %dma_wait3A_206 = tpu.memref_slice %arg13[%dma_wait3A_204, %dma_wait3A_205] : memref<10240x64xbf16, #tpu.memory_space<vmem_shared>> -> memref<10240x64xbf16, #tpu.memory_space<vmem_shared>>
        tpu.wait_indirect_dma semaphore(%run_scoped3A_194 : memref<!tpu.dma_semaphore, #tpu.memory_space<semaphore_mem>>) src(%arg11 : memref<128x64xbf16, #tpu.memory_space<vmem>>) dst(%dma_wait3A_206 : memref<10240x64xbf16, #tpu.memory_space<vmem_shared>>)
        tpu.yield
      }) : () -> ()
      %add3A_184 = arith.constant 4 : i32
      %add3A_185 = arith.addi %add3A_113, %add3A_184 : i32
      %add3A_186 = arith.constant 3 : i32
      %add3A_187 = arith.addi %add3A_185, %add3A_186 : i32
      %dma_start3A_188 = arith.constant 0 : i32
      %dma_start3A_189 = tpu.memref_slice %arg6[%add3A_187, %dma_start3A_188] : memref<80x128xi32, #tpu.memory_space<vmem>> -> memref<1x128xi32, #tpu.memory_space<vmem>>
      %dma_start3A_190 = tpu.memref_squeeze %dma_start3A_189 : memref<1x128xi32, #tpu.memory_space<vmem>> -> memref<128xi32, #tpu.memory_space<vmem>>
      %dma_start3A_191 = arith.constant 0 : i32
      %dma_start3A_192 = arith.constant 0 : i32
      %dma_start3A_193 = tpu.memref_slice %arg2[%dma_start3A_191, %dma_start3A_192] : memref<10240x64xbf16, #tpu.memory_space<hbm>> -> memref<10240x64xbf16, #tpu.memory_space<hbm>>
      tpu.enqueue_indirect_dma source(%dma_start3A_193 : memref<10240x64xbf16, #tpu.memory_space<hbm>>) target(%arg11 : memref<128x64xbf16, #tpu.memory_space<vmem>>) offsets(%dma_start3A_190 : memref<128xi32, #tpu.memory_space<vmem>>) semaphore(%arg17 : memref<!tpu.dma_semaphore, #tpu.memory_space<semaphore_mem>>)
    }
    %scan3A_72 = arith.constant 19 : i32
    %dma_wait3A_73 = arith.constant 76 : i32
    %dma_wait3A_74 = arith.constant 0 : i32
    %dma_wait3A_75 = tpu.memref_slice %arg6[%dma_wait3A_73, %dma_wait3A_74] : memref<80x128xi32, #tpu.memory_space<vmem>> -> memref<1x128xi32, #tpu.memory_space<vmem>>
    %dma_wait3A_76 = tpu.memref_squeeze %dma_wait3A_75 : memref<1x128xi32, #tpu.memory_space<vmem>> -> memref<128xi32, #tpu.memory_space<vmem>>
    %dma_wait3A_77 = arith.constant 0 : i32
    %dma_wait3A_78 = arith.constant 0 : i32
    %dma_wait3A_79 = tpu.memref_slice %arg2[%dma_wait3A_77, %dma_wait3A_78] : memref<10240x64xbf16, #tpu.memory_space<hbm>> -> memref<10240x64xbf16, #tpu.memory_space<hbm>>
    tpu.wait_indirect_dma semaphore(%arg14 : memref<!tpu.dma_semaphore, #tpu.memory_space<semaphore_mem>>) src(%dma_wait3A_79 : memref<10240x64xbf16, #tpu.memory_space<hbm>>) dst(%arg8 : memref<128x64xbf16, #tpu.memory_space<vmem>>)
    %run_scoped3A = arith.constant 76 : i32
    "tpu.region"() ({
      %run_scoped3A_109 = tpu.sem_alloc : memref<!tpu.dma_semaphore, #tpu.memory_space<semaphore_mem>>
      %dma_start3A_110 = arith.constant 0 : i32
      %dma_start3A_111 = tpu.memref_slice %arg7[%run_scoped3A, %dma_start3A_110] : memref<80x128xi32, #tpu.memory_space<vmem>> -> memref<1x128xi32, #tpu.memory_space<vmem>>
      %dma_start3A_112 = tpu.memref_squeeze %dma_start3A_111 : memref<1x128xi32, #tpu.memory_space<vmem>> -> memref<128xi32, #tpu.memory_space<vmem>>
      %dma_start3A_113 = arith.constant 0 : i32
      %dma_start3A_114 = arith.constant 0 : i32
      %dma_start3A_115 = tpu.memref_slice %arg13[%dma_start3A_113, %dma_start3A_114] : memref<10240x64xbf16, #tpu.memory_space<vmem_shared>> -> memref<10240x64xbf16, #tpu.memory_space<vmem_shared>>
      tpu.enqueue_indirect_dma source(%arg8 : memref<128x64xbf16, #tpu.memory_space<vmem>>) target(%dma_start3A_115 : memref<10240x64xbf16, #tpu.memory_space<vmem_shared>>) offsets(%dma_start3A_112 : memref<128xi32, #tpu.memory_space<vmem>>) semaphore(%run_scoped3A_109 : memref<!tpu.dma_semaphore, #tpu.memory_space<semaphore_mem>>) {add = true}
      %dma_wait3A_116 = arith.constant 0 : i32
      %dma_wait3A_117 = tpu.memref_slice %arg7[%run_scoped3A, %dma_wait3A_116] : memref<80x128xi32, #tpu.memory_space<vmem>> -> memref<1x128xi32, #tpu.memory_space<vmem>>
      %dma_wait3A_118 = tpu.memref_squeeze %dma_wait3A_117 : memref<1x128xi32, #tpu.memory_space<vmem>> -> memref<128xi32, #tpu.memory_space<vmem>>
      %dma_wait3A_119 = arith.constant 0 : i32
      %dma_wait3A_120 = arith.constant 0 : i32
      %dma_wait3A_121 = tpu.memref_slice %arg13[%dma_wait3A_119, %dma_wait3A_120] : memref<10240x64xbf16, #tpu.memory_space<vmem_shared>> -> memref<10240x64xbf16, #tpu.memory_space<vmem_shared>>
      tpu.wait_indirect_dma semaphore(%run_scoped3A_109 : memref<!tpu.dma_semaphore, #tpu.memory_space<semaphore_mem>>) src(%arg8 : memref<128x64xbf16, #tpu.memory_space<vmem>>) dst(%dma_wait3A_121 : memref<10240x64xbf16, #tpu.memory_space<vmem_shared>>)
      tpu.yield
    }) : () -> ()
    %dma_wait3A_80 = arith.constant 77 : i32
    %dma_wait3A_81 = arith.constant 0 : i32
    %dma_wait3A_82 = tpu.memref_slice %arg6[%dma_wait3A_80, %dma_wait3A_81] : memref<80x128xi32, #tpu.memory_space<vmem>> -> memref<1x128xi32, #tpu.memory_space<vmem>>
    %dma_wait3A_83 = tpu.memref_squeeze %dma_wait3A_82 : memref<1x128xi32, #tpu.memory_space<vmem>> -> memref<128xi32, #tpu.memory_space<vmem>>
    %dma_wait3A_84 = arith.constant 0 : i32
    %dma_wait3A_85 = arith.constant 0 : i32
    %dma_wait3A_86 = tpu.memref_slice %arg2[%dma_wait3A_84, %dma_wait3A_85] : memref<10240x64xbf16, #tpu.memory_space<hbm>> -> memref<10240x64xbf16, #tpu.memory_space<hbm>>
    tpu.wait_indirect_dma semaphore(%arg15 : memref<!tpu.dma_semaphore, #tpu.memory_space<semaphore_mem>>) src(%dma_wait3A_86 : memref<10240x64xbf16, #tpu.memory_space<hbm>>) dst(%arg9 : memref<128x64xbf16, #tpu.memory_space<vmem>>)
    %run_scoped3A_87 = arith.constant 77 : i32
    "tpu.region"() ({
      %run_scoped3A_109 = tpu.sem_alloc : memref<!tpu.dma_semaphore, #tpu.memory_space<semaphore_mem>>
      %dma_start3A_110 = arith.constant 0 : i32
      %dma_start3A_111 = tpu.memref_slice %arg7[%run_scoped3A_87, %dma_start3A_110] : memref<80x128xi32, #tpu.memory_space<vmem>> -> memref<1x128xi32, #tpu.memory_space<vmem>>
      %dma_start3A_112 = tpu.memref_squeeze %dma_start3A_111 : memref<1x128xi32, #tpu.memory_space<vmem>> -> memref<128xi32, #tpu.memory_space<vmem>>
      %dma_start3A_113 = arith.constant 0 : i32
      %dma_start3A_114 = arith.constant 0 : i32
      %dma_start3A_115 = tpu.memref_slice %arg13[%dma_start3A_113, %dma_start3A_114] : memref<10240x64xbf16, #tpu.memory_space<vmem_shared>> -> memref<10240x64xbf16, #tpu.memory_space<vmem_shared>>
      tpu.enqueue_indirect_dma source(%arg9 : memref<128x64xbf16, #tpu.memory_space<vmem>>) target(%dma_start3A_115 : memref<10240x64xbf16, #tpu.memory_space<vmem_shared>>) offsets(%dma_start3A_112 : memref<128xi32, #tpu.memory_space<vmem>>) semaphore(%run_scoped3A_109 : memref<!tpu.dma_semaphore, #tpu.memory_space<semaphore_mem>>) {add = true}
      %dma_wait3A_116 = arith.constant 0 : i32
      %dma_wait3A_117 = tpu.memref_slice %arg7[%run_scoped3A_87, %dma_wait3A_116] : memref<80x128xi32, #tpu.memory_space<vmem>> -> memref<1x128xi32, #tpu.memory_space<vmem>>
      %dma_wait3A_118 = tpu.memref_squeeze %dma_wait3A_117 : memref<1x128xi32, #tpu.memory_space<vmem>> -> memref<128xi32, #tpu.memory_space<vmem>>
      %dma_wait3A_119 = arith.constant 0 : i32
      %dma_wait3A_120 = arith.constant 0 : i32
      %dma_wait3A_121 = tpu.memref_slice %arg13[%dma_wait3A_119, %dma_wait3A_120] : memref<10240x64xbf16, #tpu.memory_space<vmem_shared>> -> memref<10240x64xbf16, #tpu.memory_space<vmem_shared>>
      tpu.wait_indirect_dma semaphore(%run_scoped3A_109 : memref<!tpu.dma_semaphore, #tpu.memory_space<semaphore_mem>>) src(%arg9 : memref<128x64xbf16, #tpu.memory_space<vmem>>) dst(%dma_wait3A_121 : memref<10240x64xbf16, #tpu.memory_space<vmem_shared>>)
      tpu.yield
    }) : () -> ()
    %dma_wait3A_88 = arith.constant 78 : i32
    %dma_wait3A_89 = arith.constant 0 : i32
    %dma_wait3A_90 = tpu.memref_slice %arg6[%dma_wait3A_88, %dma_wait3A_89] : memref<80x128xi32, #tpu.memory_space<vmem>> -> memref<1x128xi32, #tpu.memory_space<vmem>>
    %dma_wait3A_91 = tpu.memref_squeeze %dma_wait3A_90 : memref<1x128xi32, #tpu.memory_space<vmem>> -> memref<128xi32, #tpu.memory_space<vmem>>
    %dma_wait3A_92 = arith.constant 0 : i32
    %dma_wait3A_93 = arith.constant 0 : i32
    %dma_wait3A_94 = tpu.memref_slice %arg2[%dma_wait3A_92, %dma_wait3A_93] : memref<10240x64xbf16, #tpu.memory_space<hbm>> -> memref<10240x64xbf16, #tpu.memory_space<hbm>>
    tpu.wait_indirect_dma semaphore(%arg16 : memref<!tpu.dma_semaphore, #tpu.memory_space<semaphore_mem>>) src(%dma_wait3A_94 : memref<10240x64xbf16, #tpu.memory_space<hbm>>) dst(%arg10 : memref<128x64xbf16, #tpu.memory_space<vmem>>)
    %run_scoped3A_95 = arith.constant 78 : i32
    "tpu.region"() ({
      %run_scoped3A_109 = tpu.sem_alloc : memref<!tpu.dma_semaphore, #tpu.memory_space<semaphore_mem>>
      %dma_start3A_110 = arith.constant 0 : i32
      %dma_start3A_111 = tpu.memref_slice %arg7[%run_scoped3A_95, %dma_start3A_110] : memref<80x128xi32, #tpu.memory_space<vmem>> -> memref<1x128xi32, #tpu.memory_space<vmem>>
      %dma_start3A_112 = tpu.memref_squeeze %dma_start3A_111 : memref<1x128xi32, #tpu.memory_space<vmem>> -> memref<128xi32, #tpu.memory_space<vmem>>
      %dma_start3A_113 = arith.constant 0 : i32
      %dma_start3A_114 = arith.constant 0 : i32
      %dma_start3A_115 = tpu.memref_slice %arg13[%dma_start3A_113, %dma_start3A_114] : memref<10240x64xbf16, #tpu.memory_space<vmem_shared>> -> memref<10240x64xbf16, #tpu.memory_space<vmem_shared>>
      tpu.enqueue_indirect_dma source(%arg10 : memref<128x64xbf16, #tpu.memory_space<vmem>>) target(%dma_start3A_115 : memref<10240x64xbf16, #tpu.memory_space<vmem_shared>>) offsets(%dma_start3A_112 : memref<128xi32, #tpu.memory_space<vmem>>) semaphore(%run_scoped3A_109 : memref<!tpu.dma_semaphore, #tpu.memory_space<semaphore_mem>>) {add = true}
      %dma_wait3A_116 = arith.constant 0 : i32
      %dma_wait3A_117 = tpu.memref_slice %arg7[%run_scoped3A_95, %dma_wait3A_116] : memref<80x128xi32, #tpu.memory_space<vmem>> -> memref<1x128xi32, #tpu.memory_space<vmem>>
      %dma_wait3A_118 = tpu.memref_squeeze %dma_wait3A_117 : memref<1x128xi32, #tpu.memory_space<vmem>> -> memref<128xi32, #tpu.memory_space<vmem>>
      %dma_wait3A_119 = arith.constant 0 : i32
      %dma_wait3A_120 = arith.constant 0 : i32
      %dma_wait3A_121 = tpu.memref_slice %arg13[%dma_wait3A_119, %dma_wait3A_120] : memref<10240x64xbf16, #tpu.memory_space<vmem_shared>> -> memref<10240x64xbf16, #tpu.memory_space<vmem_shared>>
      tpu.wait_indirect_dma semaphore(%run_scoped3A_109 : memref<!tpu.dma_semaphore, #tpu.memory_space<semaphore_mem>>) src(%arg10 : memref<128x64xbf16, #tpu.memory_space<vmem>>) dst(%dma_wait3A_121 : memref<10240x64xbf16, #tpu.memory_space<vmem_shared>>)
      tpu.yield
    }) : () -> ()
    %dma_wait3A_96 = arith.constant 79 : i32
    %dma_wait3A_97 = arith.constant 0 : i32
    %dma_wait3A_98 = tpu.memref_slice %arg6[%dma_wait3A_96, %dma_wait3A_97] : memref<80x128xi32, #tpu.memory_space<vmem>> -> memref<1x128xi32, #tpu.memory_space<vmem>>
    %dma_wait3A_99 = tpu.memref_squeeze %dma_wait3A_98 : memref<1x128xi32, #tpu.memory_space<vmem>> -> memref<128xi32, #tpu.memory_space<vmem>>
    %dma_wait3A_100 = arith.constant 0 : i32
    %dma_wait3A_101 = arith.constant 0 : i32
    %dma_wait3A_102 = tpu.memref_slice %arg2[%dma_wait3A_100, %dma_wait3A_101] : memref<10240x64xbf16, #tpu.memory_space<hbm>> -> memref<10240x64xbf16, #tpu.memory_space<hbm>>
    tpu.wait_indirect_dma semaphore(%arg17 : memref<!tpu.dma_semaphore, #tpu.memory_space<semaphore_mem>>) src(%dma_wait3A_102 : memref<10240x64xbf16, #tpu.memory_space<hbm>>) dst(%arg11 : memref<128x64xbf16, #tpu.memory_space<vmem>>)
    %run_scoped3A_103 = arith.constant 79 : i32
    "tpu.region"() ({
      %run_scoped3A_109 = tpu.sem_alloc : memref<!tpu.dma_semaphore, #tpu.memory_space<semaphore_mem>>
      %dma_start3A_110 = arith.constant 0 : i32
      %dma_start3A_111 = tpu.memref_slice %arg7[%run_scoped3A_103, %dma_start3A_110] : memref<80x128xi32, #tpu.memory_space<vmem>> -> memref<1x128xi32, #tpu.memory_space<vmem>>
      %dma_start3A_112 = tpu.memref_squeeze %dma_start3A_111 : memref<1x128xi32, #tpu.memory_space<vmem>> -> memref<128xi32, #tpu.memory_space<vmem>>
      %dma_start3A_113 = arith.constant 0 : i32
      %dma_start3A_114 = arith.constant 0 : i32
      %dma_start3A_115 = tpu.memref_slice %arg13[%dma_start3A_113, %dma_start3A_114] : memref<10240x64xbf16, #tpu.memory_space<vmem_shared>> -> memref<10240x64xbf16, #tpu.memory_space<vmem_shared>>
      tpu.enqueue_indirect_dma source(%arg11 : memref<128x64xbf16, #tpu.memory_space<vmem>>) target(%dma_start3A_115 : memref<10240x64xbf16, #tpu.memory_space<vmem_shared>>) offsets(%dma_start3A_112 : memref<128xi32, #tpu.memory_space<vmem>>) semaphore(%run_scoped3A_109 : memref<!tpu.dma_semaphore, #tpu.memory_space<semaphore_mem>>) {add = true}
      %dma_wait3A_116 = arith.constant 0 : i32
      %dma_wait3A_117 = tpu.memref_slice %arg7[%run_scoped3A_103, %dma_wait3A_116] : memref<80x128xi32, #tpu.memory_space<vmem>> -> memref<1x128xi32, #tpu.memory_space<vmem>>
      %dma_wait3A_118 = tpu.memref_squeeze %dma_wait3A_117 : memref<1x128xi32, #tpu.memory_space<vmem>> -> memref<128xi32, #tpu.memory_space<vmem>>
      %dma_wait3A_119 = arith.constant 0 : i32
      %dma_wait3A_120 = arith.constant 0 : i32
      %dma_wait3A_121 = tpu.memref_slice %arg13[%dma_wait3A_119, %dma_wait3A_120] : memref<10240x64xbf16, #tpu.memory_space<vmem_shared>> -> memref<10240x64xbf16, #tpu.memory_space<vmem_shared>>
      tpu.wait_indirect_dma semaphore(%run_scoped3A_109 : memref<!tpu.dma_semaphore, #tpu.memory_space<semaphore_mem>>) src(%arg11 : memref<128x64xbf16, #tpu.memory_space<vmem>>) dst(%dma_wait3A_121 : memref<10240x64xbf16, #tpu.memory_space<vmem_shared>>)
      tpu.yield
    }) : () -> ()
    %barrier3A_104 = arith.constant 0 : index
    tpu.barrier barrier_id(%barrier3A_104)
    %mul3A_105 = arith.constant 640 : i32
    %mul3A_106 = arith.muli %arg1, %mul3A_105 : i32
    %mul3A_107 = arith.constant 640 : i32
    %mul3A_108 = arith.muli %arg1, %mul3A_107 : i32
    "tpu.region"() ({
      %run_scoped3A_109 = tpu.sem_alloc : memref<!tpu.dma_semaphore, #tpu.memory_space<semaphore_mem>>
      %dma_start3A_110 = arith.constant 0 : i32
      %dma_start3A_111 = tpu.memref_slice %arg5[%arg0, %mul3A_108, %dma_start3A_110] : memref<2x10240x64xbf16, #tpu.memory_space<hbm>> -> memref<1x640x64xbf16, #tpu.memory_space<hbm>>
      %dma_start3A_112 = tpu.memref_squeeze %dma_start3A_111 : memref<1x640x64xbf16, #tpu.memory_space<hbm>> -> memref<640x64xbf16, #tpu.memory_space<hbm>>
      %dma_start3A_113 = arith.constant 0 : i32
      %dma_start3A_114 = tpu.memref_slice %arg13[%mul3A_106, %dma_start3A_113] : memref<10240x64xbf16, #tpu.memory_space<vmem_shared>> -> memref<640x64xbf16, #tpu.memory_space<vmem_shared>>
      tpu.enqueue_dma source(%dma_start3A_114 : memref<640x64xbf16, #tpu.memory_space<vmem_shared>>) target(%dma_start3A_112 : memref<640x64xbf16, #tpu.memory_space<hbm>>) target_semaphore(%run_scoped3A_109 : memref<!tpu.dma_semaphore, #tpu.memory_space<semaphore_mem>>)
      %dma_wait3A_115 = arith.constant 0 : i32
      %dma_wait3A_116 = tpu.memref_slice %arg5[%arg0, %mul3A_108, %dma_wait3A_115] : memref<2x10240x64xbf16, #tpu.memory_space<hbm>> -> memref<1x640x64xbf16, #tpu.memory_space<hbm>>
      %dma_wait3A_117 = tpu.memref_squeeze %dma_wait3A_116 : memref<1x640x64xbf16, #tpu.memory_space<hbm>> -> memref<640x64xbf16, #tpu.memory_space<hbm>>
      %dma_wait3A_118 = arith.constant 0 : i32
      %dma_wait3A_119 = tpu.memref_slice %arg13[%mul3A_106, %dma_wait3A_118] : memref<10240x64xbf16, #tpu.memory_space<vmem_shared>> -> memref<640x64xbf16, #tpu.memory_space<vmem_shared>>
      tpu.wait_dma2 semaphore(%run_scoped3A_109 : memref<!tpu.dma_semaphore, #tpu.memory_space<semaphore_mem>>) src(%dma_wait3A_119 : memref<640x64xbf16, #tpu.memory_space<vmem_shared>>) dst(%dma_wait3A_117 : memref<640x64xbf16, #tpu.memory_space<hbm>>)
      tpu.yield
    }) : () -> ()
    return
  }
}

module attributes {stable_mosaic.version = 14 : i64} {
  func.func @_layer1_body(%arg0: i32, %arg1: memref<1024x128xf32, #tpu.memory_space<vmem>>, %arg2: memref<128x128xf32, #tpu.memory_space<vmem>>, %arg3: memref<1x128xf32, #tpu.memory_space<vmem>>, %arg4: memref<1024x1xf32, #tpu.memory_space<vmem>>, %arg5: memref<1024x1xf32, #tpu.memory_space<vmem>>, %arg6: memref<1024x128xbf16, #tpu.memory_space<vmem>>, %arg7: memref<1024x1xf32, #tpu.memory_space<vmem>>) attributes {dimension_semantics = [#tpu.dimension_semantics<arbitrary>], iteration_bounds = array<i64: 10>, scalar_prefetch = 0 : i64, scratch_operands = 0 : i64, tpu.core_type = #tpu.core_type<tc>, window_params = [{transform_indices = @transform_0, window_bounds = array<i64: 1024, 128>}, {pipeline_mode = #tpu.pipeline_mode<synchronous>, transform_indices = @transform_1, window_bounds = array<i64: 128, 128>}, {pipeline_mode = #tpu.pipeline_mode<synchronous>, transform_indices = @transform_2, window_bounds = array<i64: 1, 128>}, {transform_indices = @transform_3, window_bounds = array<i64: 1024, 1>}, {transform_indices = @transform_4, window_bounds = array<i64: 1024, 1>}, {transform_indices = @transform_5, window_bounds = array<i64: 1024, 128>}, {transform_indices = @transform_6, window_bounds = array<i64: 1024, 1>}]} {
    %get3A = arith.constant 0 : index
    %get3A_0 = arith.constant 0 : index
    %get3A_1 = vector.load %arg4[%get3A, %get3A_0] : memref<1024x1xf32, #tpu.memory_space<vmem>>, vector<1024x1xf32>
    %get3A_2 = arith.constant 0 : index
    %get3A_3 = arith.constant 0 : index
    %get3A_4 = vector.load %arg5[%get3A_2, %get3A_3] : memref<1024x1xf32, #tpu.memory_space<vmem>>, vector<1024x1xf32>
    %add3A = arith.addf %get3A_1, %get3A_4 : vector<1024x1xf32>
    %add3A_5 = arith.constant 1.000000e+00 : f32
    %add3A_6 = vector.broadcast %add3A_5 : f32 to vector<1024x1xf32>
    %add3A_7 = arith.addf %add3A, %add3A_6 : vector<1024x1xf32>
    %rsqrt3A = math.rsqrt %add3A_7 : vector<1024x1xf32>
    %get3A_8 = arith.constant 0 : index
    %get3A_9 = arith.constant 0 : index
    %get3A_10 = vector.load %arg1[%get3A_8, %get3A_9] : memref<1024x128xf32, #tpu.memory_space<vmem>>, vector<1024x128xf32>
    %get3A_11 = arith.constant 0 : index
    %get3A_12 = arith.constant 0 : index
    %get3A_13 = vector.load %arg2[%get3A_11, %get3A_12] : memref<128x128xf32, #tpu.memory_space<vmem>>, vector<128x128xf32>
    %dot_general3A = arith.constant dense<0.000000e+00> : vector<1024x128xf32>
    %dot_general3A_14 = tpu.matmul %get3A_10, %get3A_13, %dot_general3A {dimension_numbers = #tpu.dot_dimension_numbers<[1], [0], [0], [1], [0, 0, 1, 1], [], []>, transpose_lhs_hint = false} : vector<1024x128xf32>, vector<128x128xf32>, vector<1024x128xf32> -> vector<1024x128xf32>
    %get3A_15 = arith.constant 0 : index
    %get3A_16 = arith.constant 0 : index
    %get3A_17 = vector.load %arg3[%get3A_15, %get3A_16] : memref<1x128xf32, #tpu.memory_space<vmem>>, vector<1x128xf32>
    %add3A_18 = vector.broadcast %get3A_17 : vector<1x128xf32> to vector<1024x128xf32>
    %add3A_19 = arith.addf %dot_general3A_14, %add3A_18 : vector<1024x128xf32>
    %mul3A = vector.broadcast %rsqrt3A : vector<1024x1xf32> to vector<1024x128xf32>
    %mul3A_20 = arith.mulf %add3A_19, %mul3A : vector<1024x128xf32>
    %convert_element_type3A = arith.truncf %mul3A_20 : vector<1024x128xf32> to vector<1024x128xbf16>
    %swap3A = arith.constant 0 : index
    %swap3A_21 = arith.constant 0 : index
    %swap3A_22 = vector.load %arg6[%swap3A, %swap3A_21] : memref<1024x128xbf16, #tpu.memory_space<vmem>>, vector<1024x128xbf16>
    tpu.vector_store %arg6[%swap3A, %swap3A_21], %convert_element_type3A {strides = array<i32>} : memref<1024x128xbf16, #tpu.memory_space<vmem>>, vector<1024x128xbf16>,
    %swap3A_23 = arith.constant 0 : index
    %swap3A_24 = arith.constant 0 : index
    %swap3A_25 = vector.load %arg7[%swap3A_23, %swap3A_24] : memref<1024x1xf32, #tpu.memory_space<vmem>>, vector<1024x1xf32>
    tpu.vector_store %arg7[%swap3A_23, %swap3A_24], %rsqrt3A {strides = array<i32>} : memref<1024x1xf32, #tpu.memory_space<vmem>>, vector<1024x1xf32>,
    return
  }
  func.func @transform_0(%arg0: i32) -> (i32, i32) {
    %c0_i32 = arith.constant 0 : i32
    %c0_i32_0 = arith.constant 0 : i32
    return %arg0, %c0_i32 : i32, i32
  }
  func.func @transform_1(%arg0: i32) -> (i32, i32) {
    %c0_i32 = arith.constant 0 : i32
    %c0_i32_0 = arith.constant 0 : i32
    %c0_i32_1 = arith.constant 0 : i32
    return %c0_i32, %c0_i32_0 : i32, i32
  }
  func.func @transform_2(%arg0: i32) -> (i32, i32) {
    %c0_i32 = arith.constant 0 : i32
    %c0_i32_0 = arith.constant 0 : i32
    %c0_i32_1 = arith.constant 0 : i32
    return %c0_i32, %c0_i32_0 : i32, i32
  }
  func.func @transform_3(%arg0: i32) -> (i32, i32) {
    %c0_i32 = arith.constant 0 : i32
    %c0_i32_0 = arith.constant 0 : i32
    return %arg0, %c0_i32 : i32, i32
  }
  func.func @transform_4(%arg0: i32) -> (i32, i32) {
    %c0_i32 = arith.constant 0 : i32
    %c0_i32_0 = arith.constant 0 : i32
    return %arg0, %c0_i32 : i32, i32
  }
  func.func @transform_5(%arg0: i32) -> (i32, i32) {
    %c0_i32 = arith.constant 0 : i32
    %c0_i32_0 = arith.constant 0 : i32
    return %arg0, %c0_i32 : i32, i32
  }
  func.func @transform_6(%arg0: i32) -> (i32, i32) {
    %c0_i32 = arith.constant 0 : i32
    %c0_i32_0 = arith.constant 0 : i32
    return %arg0, %c0_i32 : i32, i32
  }
}

module attributes {stable_mosaic.version = 14 : i64} {
  func.func @_layer2_body(%arg0: i32, %arg1: memref<2x1024x128xbf16, #tpu.memory_space<vmem>>, %arg2: memref<1024x128xbf16, #tpu.memory_space<vmem>>, %arg3: memref<1024x1xf32, #tpu.memory_space<vmem>>, %arg4: memref<128x64xf32, #tpu.memory_space<vmem>>, %arg5: memref<1x64xf32, #tpu.memory_space<vmem>>, %arg6: memref<1024x64xbf16, #tpu.memory_space<vmem>>) attributes {dimension_semantics = [#tpu.dimension_semantics<arbitrary>], iteration_bounds = array<i64: 10>, scalar_prefetch = 0 : i64, scratch_operands = 0 : i64, tpu.core_type = #tpu.core_type<tc>, window_params = [{transform_indices = @transform_0, window_bounds = array<i64: 2, 1024, 128>}, {transform_indices = @transform_1, window_bounds = array<i64: 1024, 128>}, {transform_indices = @transform_2, window_bounds = array<i64: 1024, 1>}, {pipeline_mode = #tpu.pipeline_mode<synchronous>, transform_indices = @transform_3, window_bounds = array<i64: 128, 64>}, {pipeline_mode = #tpu.pipeline_mode<synchronous>, transform_indices = @transform_4, window_bounds = array<i64: 1, 64>}, {transform_indices = @transform_5, window_bounds = array<i64: 1024, 64>}]} {
    %get3A = arith.constant 0 : index
    %get3A_0 = arith.constant 0 : index
    %get3A_1 = vector.load %arg3[%get3A, %get3A_0] : memref<1024x1xf32, #tpu.memory_space<vmem>>, vector<1024x1xf32>
    %get3A_2 = arith.constant 0 : index
    %get3A_3 = arith.constant 0 : index
    %get3A_4 = arith.constant 0 : index
    %get3A_5 = vector.load %arg1[%get3A_2, %get3A_3, %get3A_4] : memref<2x1024x128xbf16, #tpu.memory_space<vmem>>, vector<1x1024x128xbf16>
    %get3A_6 = vector.shape_cast %get3A_5 : vector<1x1024x128xbf16> to vector<1024x128xbf16>
    %convert_element_type3A = arith.extf %get3A_6 : vector<1024x128xbf16> to vector<1024x128xf32>
    %get3A_7 = arith.constant 1 : index
    %get3A_8 = arith.constant 0 : index
    %get3A_9 = arith.constant 0 : index
    %get3A_10 = vector.load %arg1[%get3A_7, %get3A_8, %get3A_9] : memref<2x1024x128xbf16, #tpu.memory_space<vmem>>, vector<1x1024x128xbf16>
    %get3A_11 = vector.shape_cast %get3A_10 : vector<1x1024x128xbf16> to vector<1024x128xbf16>
    %convert_element_type3A_12 = arith.extf %get3A_11 : vector<1024x128xbf16> to vector<1024x128xf32>
    %add3A = arith.addf %convert_element_type3A, %convert_element_type3A_12 : vector<1024x128xf32>
    %get3A_13 = arith.constant 0 : index
    %get3A_14 = arith.constant 0 : index
    %get3A_15 = vector.load %arg2[%get3A_13, %get3A_14] : memref<1024x128xbf16, #tpu.memory_space<vmem>>, vector<1024x128xbf16>
    %convert_element_type3A_16 = arith.extf %get3A_15 : vector<1024x128xbf16> to vector<1024x128xf32>
    %add3A_17 = arith.addf %add3A, %convert_element_type3A_16 : vector<1024x128xf32>
    %mul3A = vector.broadcast %get3A_1 : vector<1024x1xf32> to vector<1024x128xf32>
    %mul3A_18 = arith.mulf %add3A_17, %mul3A : vector<1024x128xf32>
    %max3A = arith.constant 0.000000e+00 : f32
    %max3A_19 = vector.broadcast %max3A : f32 to vector<1024x128xf32>
    %max3A_20 = arith.maximumf %mul3A_18, %max3A_19 : vector<1024x128xf32>
    %get3A_21 = arith.constant 0 : index
    %get3A_22 = arith.constant 0 : index
    %get3A_23 = vector.load %arg4[%get3A_21, %get3A_22] : memref<128x64xf32, #tpu.memory_space<vmem>>, vector<128x64xf32>
    %dot_general3A = arith.constant dense<0.000000e+00> : vector<1024x64xf32>
    %dot_general3A_24 = tpu.matmul %max3A_20, %get3A_23, %dot_general3A {dimension_numbers = #tpu.dot_dimension_numbers<[1], [0], [0], [1], [0, 0, 1, 1], [], []>, transpose_lhs_hint = false} : vector<1024x128xf32>, vector<128x64xf32>, vector<1024x64xf32> -> vector<1024x64xf32>
    %get3A_25 = arith.constant 0 : index
    %get3A_26 = arith.constant 0 : index
    %get3A_27 = vector.load %arg5[%get3A_25, %get3A_26] : memref<1x64xf32, #tpu.memory_space<vmem>>, vector<1x64xf32>
    %add3A_28 = vector.broadcast %get3A_27 : vector<1x64xf32> to vector<1024x64xf32>
    %add3A_29 = arith.addf %dot_general3A_24, %add3A_28 : vector<1024x64xf32>
    %mul3A_30 = vector.broadcast %get3A_1 : vector<1024x1xf32> to vector<1024x64xf32>
    %mul3A_31 = arith.mulf %add3A_29, %mul3A_30 : vector<1024x64xf32>
    %convert_element_type3A_32 = arith.truncf %mul3A_31 : vector<1024x64xf32> to vector<1024x64xbf16>
    %swap3A = arith.constant 0 : index
    %swap3A_33 = arith.constant 0 : index
    %swap3A_34 = vector.load %arg6[%swap3A, %swap3A_33] : memref<1024x64xbf16, #tpu.memory_space<vmem>>, vector<1024x64xbf16>
    tpu.vector_store %arg6[%swap3A, %swap3A_33], %convert_element_type3A_32 {strides = array<i32>} : memref<1024x64xbf16, #tpu.memory_space<vmem>>, vector<1024x64xbf16>,
    return
  }
  func.func @transform_0(%arg0: i32) -> (i32, i32, i32) {
    %c0_i32 = arith.constant 0 : i32
    %c0_i32_0 = arith.constant 0 : i32
    %c0_i32_1 = arith.constant 0 : i32
    return %c0_i32, %arg0, %c0_i32_0 : i32, i32, i32
  }
  func.func @transform_1(%arg0: i32) -> (i32, i32) {
    %c0_i32 = arith.constant 0 : i32
    %c0_i32_0 = arith.constant 0 : i32
    return %arg0, %c0_i32 : i32, i32
  }
  func.func @transform_2(%arg0: i32) -> (i32, i32) {
    %c0_i32 = arith.constant 0 : i32
    %c0_i32_0 = arith.constant 0 : i32
    return %arg0, %c0_i32 : i32, i32
  }
  func.func @transform_3(%arg0: i32) -> (i32, i32) {
    %c0_i32 = arith.constant 0 : i32
    %c0_i32_0 = arith.constant 0 : i32
    %c0_i32_1 = arith.constant 0 : i32
    return %c0_i32, %c0_i32_0 : i32, i32
  }
  func.func @transform_4(%arg0: i32) -> (i32, i32) {
    %c0_i32 = arith.constant 0 : i32
    %c0_i32_0 = arith.constant 0 : i32
    %c0_i32_1 = arith.constant 0 : i32
    return %c0_i32, %c0_i32_0 : i32, i32
  }
  func.func @transform_5(%arg0: i32) -> (i32, i32) {
    %c0_i32 = arith.constant 0 : i32
    %c0_i32_0 = arith.constant 0 : i32
    return %arg0, %c0_i32 : i32, i32
  }
}

module attributes {stable_mosaic.version = 14 : i64} {
  func.func @_out_body(%arg0: i32, %arg1: memref<2x1024x64xbf16, #tpu.memory_space<vmem>>, %arg2: memref<1024x64xbf16, #tpu.memory_space<vmem>>, %arg3: memref<1024x1xf32, #tpu.memory_space<vmem>>, %arg4: memref<1024x40xf32, #tpu.memory_space<vmem>>) attributes {dimension_semantics = [#tpu.dimension_semantics<arbitrary>], iteration_bounds = array<i64: 10>, scalar_prefetch = 0 : i64, scratch_operands = 0 : i64, tpu.core_type = #tpu.core_type<tc>, window_params = [{transform_indices = @transform_0, window_bounds = array<i64: 2, 1024, 64>}, {transform_indices = @transform_1, window_bounds = array<i64: 1024, 64>}, {transform_indices = @transform_2, window_bounds = array<i64: 1024, 1>}, {transform_indices = @transform_3, window_bounds = array<i64: 1024, 40>}]} {
    %get3A = arith.constant 0 : index
    %get3A_0 = arith.constant 0 : index
    %get3A_1 = arith.constant 0 : index
    %get3A_2 = vector.load %arg1[%get3A, %get3A_0, %get3A_1] : memref<2x1024x64xbf16, #tpu.memory_space<vmem>>, vector<1x1024x64xbf16>
    %get3A_3 = vector.shape_cast %get3A_2 : vector<1x1024x64xbf16> to vector<1024x64xbf16>
    %convert_element_type3A = arith.extf %get3A_3 : vector<1024x64xbf16> to vector<1024x64xf32>
    %get3A_4 = arith.constant 1 : index
    %get3A_5 = arith.constant 0 : index
    %get3A_6 = arith.constant 0 : index
    %get3A_7 = vector.load %arg1[%get3A_4, %get3A_5, %get3A_6] : memref<2x1024x64xbf16, #tpu.memory_space<vmem>>, vector<1x1024x64xbf16>
    %get3A_8 = vector.shape_cast %get3A_7 : vector<1x1024x64xbf16> to vector<1024x64xbf16>
    %convert_element_type3A_9 = arith.extf %get3A_8 : vector<1024x64xbf16> to vector<1024x64xf32>
    %add3A = arith.addf %convert_element_type3A, %convert_element_type3A_9 : vector<1024x64xf32>
    %get3A_10 = arith.constant 0 : index
    %get3A_11 = arith.constant 0 : index
    %get3A_12 = vector.load %arg2[%get3A_10, %get3A_11] : memref<1024x64xbf16, #tpu.memory_space<vmem>>, vector<1024x64xbf16>
    %convert_element_type3A_13 = arith.extf %get3A_12 : vector<1024x64xbf16> to vector<1024x64xf32>
    %add3A_14 = arith.addf %add3A, %convert_element_type3A_13 : vector<1024x64xf32>
    %get3A_15 = arith.constant 0 : index
    %get3A_16 = arith.constant 0 : index
    %get3A_17 = vector.load %arg3[%get3A_15, %get3A_16] : memref<1024x1xf32, #tpu.memory_space<vmem>>, vector<1024x1xf32>
    %mul3A = vector.broadcast %get3A_17 : vector<1024x1xf32> to vector<1024x64xf32>
    %mul3A_18 = arith.mulf %add3A_14, %mul3A : vector<1024x64xf32>
    %iota3A = tpu.iota {dimensions = array<i32: 1>} : vector<1024x64xi32>
    %lt3A = arith.constant 40 : i32
    %lt3A_19 = vector.broadcast %lt3A : i32 to vector<1024x64xi32>
    %lt3A_20 = arith.cmpi slt, %iota3A, %lt3A_19 : vector<1024x64xi32>
    %jit3A = arith.constant 0xFF800000 : f32
    %broadcast_in_dim3A = vector.broadcast %jit3A : f32 to vector<1024x64xf32>
    %select_n3A = arith.select %lt3A_20, %mul3A_18, %broadcast_in_dim3A : vector<1024x64xi1>, vector<1024x64xf32>
    %reduce_max3A = arith.constant dense<0xFF800000> : vector<1024xf32>
    %reduce_max3A_21 = vector.multi_reduction <maximumf>, %select_n3A, %reduce_max3A [1] : vector<1024x64xf32> to vector<1024xf32>
    %broadcast_in_dim3A_22 = vector.shape_cast %reduce_max3A_21 : vector<1024xf32> to vector<1024x1xf32>
    %sub3A = vector.broadcast %broadcast_in_dim3A_22 : vector<1024x1xf32> to vector<1024x64xf32>
    %sub3A_23 = arith.subf %select_n3A, %sub3A : vector<1024x64xf32>
    %exp3A = math.exp %sub3A_23 : vector<1024x64xf32>
    %jit3A_24 = arith.constant 0.000000e+00 : f32
    %broadcast_in_dim3A_25 = vector.broadcast %jit3A_24 : f32 to vector<1024x64xf32>
    %select_n3A_26 = arith.select %lt3A_20, %exp3A, %broadcast_in_dim3A_25 : vector<1024x64xi1>, vector<1024x64xf32>
    %reduce_sum3A = arith.constant dense<0.000000e+00> : vector<1024xf32>
    %reduce_sum3A_27 = vector.multi_reduction <add>, %select_n3A_26, %reduce_sum3A [1] : vector<1024x64xf32> to vector<1024xf32>
    %broadcast_in_dim3A_28 = vector.shape_cast %reduce_sum3A_27 : vector<1024xf32> to vector<1024x1xf32>
    %log3A = math.log %broadcast_in_dim3A_28 : vector<1024x1xf32>
    %add3A_29 = arith.addf %log3A, %broadcast_in_dim3A_22 : vector<1024x1xf32>
    %sub3A_30 = vector.broadcast %add3A_29 : vector<1024x1xf32> to vector<1024x64xf32>
    %sub3A_31 = arith.subf %mul3A_18, %sub3A_30 : vector<1024x64xf32>
    %slice3A = vector.extract_strided_slice %sub3A_31 {offsets = [0, 0], sizes = [1024, 40], strides = [1, 1]} : vector<1024x64xf32> to vector<1024x40xf32>
    %swap3A = arith.constant 0 : index
    %swap3A_32 = arith.constant 0 : index
    %swap3A_33 = vector.load %arg4[%swap3A, %swap3A_32] : memref<1024x40xf32, #tpu.memory_space<vmem>>, vector<1024x40xf32>
    tpu.vector_store %arg4[%swap3A, %swap3A_32], %slice3A {strides = array<i32>} : memref<1024x40xf32, #tpu.memory_space<vmem>>, vector<1024x40xf32>,
    return
  }
  func.func @transform_0(%arg0: i32) -> (i32, i32, i32) {
    %c0_i32 = arith.constant 0 : i32
    %c0_i32_0 = arith.constant 0 : i32
    %c0_i32_1 = arith.constant 0 : i32
    return %c0_i32, %arg0, %c0_i32_0 : i32, i32, i32
  }
  func.func @transform_1(%arg0: i32) -> (i32, i32) {
    %c0_i32 = arith.constant 0 : i32
    %c0_i32_0 = arith.constant 0 : i32
    return %arg0, %c0_i32 : i32, i32
  }
  func.func @transform_2(%arg0: i32) -> (i32, i32) {
    %c0_i32 = arith.constant 0 : i32
    %c0_i32_0 = arith.constant 0 : i32
    return %arg0, %c0_i32 : i32, i32
  }
  func.func @transform_3(%arg0: i32) -> (i32, i32) {
    %c0_i32 = arith.constant 0 : i32
    %c0_i32_0 = arith.constant 0 : i32
    return %arg0, %c0_i32 : i32, i32
  }
}

</mosaic_0001>

<sc_bundles>
// kernel: kernel.11.cloned.1.call-start
scs
__scs_entry_jumppad:
0x0: {  	(pc) =	sbr.rel $0x88, $3  }
0x1: {  	(tag) =	ssettag $0x0;
	lr =	simm.s32 $0x1  }
0x2: {  	[smem:$0x3F9B] =	sst lr;
	_ =	strace $0xD0000000  }
0x3: {  	_ = 	snop  }
0x4: {  	_ = 	snop  }
0x5: {  	_ = 	snop  }
0x6: {  	_ = 	snop  }
0x7: {  	_ = 	snop  }
__scs_overlays_trampoline_lowered:
0x8: {  	[smem:$0x3FAA] =	sst s0  }
0x9: {  	[smem:$0x3FAB] =	sst s1  }
0xa: {  	[smem:$0x3FAC] =	sst s2  }
0xb: {  	[smem:$0x3FAD] =	sst s3  }
0xc: {  	[smem:$0x3FAE] =	sst s4  }
0xd: {  	[smem:$0x3FAF] =	sst s5  }
0xe: {  	[smem:$0x3FB0] =	sst s6  }
0xf: {  	[smem:$0x3FB1] =	sst s7  }
0x10: {  	[smem:$0x3FB2] =	sst s8  }
0x11: {  	[smem:$0x3FB3] =	sst s9;
	s0 =	simm.s32 @!p0 $0x0  }
0x12: {  	s1 =	sld [smem:$0x3F99];
	s0 =	simm.s32 @p0 $0x1  }
0x13: {  	[smem:$0x3FB4] =	sst s0;
	s0 =	simm.s32 @!p1 $0x0  }
0x14: {  	s2 =	sld [smem:$0x3F98];
	s0 =	simm.s32 @p1 $0x1  }
0x15: {  	[smem:$0x3FB5] =	sst s0;
	s0 =	simm.s32 @!p2 $0x0  }
0x16: {  	s3 =	sld [smem:$0x3FDB];
	s0 =	simm.s32 @p2 $0x1  }
0x17: {  	s4 =	simm.s32 $0x1BF5;
	[smem:$0x3FB7] =	sst s0  }
0x18: {  	s0 =	sld [smem:$0x3F9A];
	_ =	swait.ge [sflag:s4], $0x0  }
0x19: {  	s7 =	sld [smem:$0x3F9B]  }
0x1a: {  	s8 =	sadd.s32 $0xFFFFE003, lr  }
0x1b: {  	s9 =	sadd.s32 $0xFFFFFEF7, lr;
	s5 =	simm.s32 $0xFFFFFFFF;
	p2 =	slt.u32 s8, $0xFFFFF086  }
0x1c: {  	p1 =	slt.u32 s9, $0xF7A;
	s5 =	simm.s32 @!p2 $0x0  }
0x1d: {  	s5 =	simm.s32 @p1 $0x1;
	p0 =	seq.s32 s7, s2  }
0x1e: {  	s7 =	smul.u32 @!p0 $0xF7A, s2;
	p2 =	seq.s32 @!p0 s5, $0x0  }
0x1f: {  	s9 =	smul.u32 $0xF7A, s1;
	s8 =	simm.s32 @!p0 $0x1BF5;
	p2 =	por !p2, p0  }
0x20: {  	[sflag:s8] =	ssyncset.s32 @!p0 $0xFFFFF086;
	s6 =	sadd.s32 @!p0 s3, s7;
	s7 =	simm.s32 @!p0 $0x108  }
0x21: {  	s3 =	sadd.s32 s3, s9;
	s6 =	sadd.s32 @!p0 $0x88, s6;
	s7 =	simm.s32 @p2 $0x1082  }
0x22: {  	[simem:s7], [sflag:s8] =	dma.local @!p0 [hbm:s6], $0xF7A  }
0x23: {  	s9 =	sor.u32 $0xD0000000, s2;
	s6 =	simm.s32 $0x108;
	_ =	swait.ge @!p0 [sflag:s8], $0x0  }
0x24: {  	s3 =	sadd.s32 $0x88, s3;
	s6 =	simm.s32 @!p1 $0x1082;
	[sflag:s4] =	ssyncset.s32 $0xFFFFF086  }
0x25: {  	[simem:s6], [sflag:s4] =	dma.local [hbm:s3], $0xF7A  }
0x26: {  	[smem:$0x3F9B] =	sst s1;
	(tag) =	ssettag s2;
	_ =	strace s9  }
0x27: {  	s1 =	sld [smem:$0x3FAB]  }
0x28: {  	s2 =	sld [smem:$0x3FAC]  }
0x29: {  	s4 =	sld [smem:$0x3FAE]  }
0x2a: {  	p0 =	seq.s32 s5, $0x0;
	s5 =	sld [smem:$0x3FAF]  }
0x2b: {  	s6 =	sld [smem:$0x3FB0]  }
0x2c: {  	s7 =	sld [smem:$0x3FB1]  }
0x2d: {  	s3 =	simm.s32 $0x108;
	s8 =	sld [smem:$0x3FB2]  }
0x2e: {  	s3 =	simm.s32 @!p0 $0x1082;
	s9 =	sld [smem:$0x3FB3]  }
0x2f: {  	lr =	sadd.s32 s0, s3;
	s0 =	sld [smem:$0x3FAA]  }
0x30: {  	s3 =	sld [smem:$0x3FAD]  }
0x31: {  	[smem:$0x3FB6] =	sst s10  }
0x32: {  	s10 =	sld [smem:$0x3FB4];
	_ =	sdelay $0x3  }
0x33: {  	p0 =	seq.s32 s10, $0x1;
	s10 =	sld [smem:$0x3FB6];
	_ =	sdelay $0x3  }
0x34: {  	[smem:$0x3FB6] =	sst s10  }
0x35: {  	s10 =	sld [smem:$0x3FB5];
	_ =	sdelay $0x3  }
0x36: {  	p1 =	seq.s32 s10, $0x1;
	s10 =	sld [smem:$0x3FB6];
	_ =	sdelay $0x3  }
0x37: {  	[smem:$0x3FB6] =	sst s10  }
0x38: {  	s10 =	sld [smem:$0x3FB7]  }
0x39: {  	_ = 	snop;
	(pc) =	sbr.ind lr, $3  }
0x3a: {  	_ = 	snop  }
0x3b: {  	_ = 	snop  }
0x3c: {  	p2 =	seq.s32 s10, $0x1;
	s10 =	sld [smem:$0x3FB6]  }
0x3d: {  	_ =	shalt  }
0x3e: {  	_ =	shalt  }
0x3f: {  	_ =	shalt  }
0x40: {  	_ =	shalt  }
0x41: {  	_ =	shalt  }
0x42: {  	_ =	shalt  }
0x43: {  	_ =	shalt  }
0x44: {  	_ =	shalt  }
0x45: {  	_ =	shalt  }
0x46: {  	_ =	shalt  }
0x47: {  	_ =	shalt  }
0x48: {  	_ =	shalt  }
0x49: {  	_ =	shalt  }
0x4a: {  	_ =	shalt  }
0x4b: {  	_ =	shalt  }
0x4c: {  	_ =	shalt  }
0x4d: {  	_ =	shalt  }
0x4e: {  	_ =	shalt  }
0x4f: {  	_ =	shalt  }
0x50: {  	_ =	shalt  }
0x51: {  	_ =	shalt  }
0x52: {  	_ =	shalt  }
0x53: {  	_ =	shalt  }
0x54: {  	_ =	shalt  }
0x55: {  	_ =	shalt  }
0x56: {  	_ =	shalt  }
0x57: {  	_ =	shalt  }
0x58: {  	_ =	shalt  }
0x59: {  	_ =	shalt  }
0x5a: {  	_ =	shalt  }
0x5b: {  	_ =	shalt  }
0x5c: {  	_ =	shalt  }
0x5d: {  	_ =	shalt  }
0x5e: {  	_ =	shalt  }
0x5f: {  	_ =	shalt  }
0x60: {  	_ =	shalt  }
0x61: {  	_ =	shalt  }
0x62: {  	_ =	shalt  }
0x63: {  	_ =	shalt  }
0x64: {  	_ =	shalt  }
0x65: {  	_ =	shalt  }
0x66: {  	_ =	shalt  }
0x67: {  	_ =	shalt  }
0x68: {  	_ =	shalt  }
0x69: {  	_ =	shalt  }
0x6a: {  	_ =	shalt  }
0x6b: {  	_ =	shalt  }
0x6c: {  	_ =	shalt  }
0x6d: {  	_ =	shalt  }
0x6e: {  	_ =	shalt  }
0x6f: {  	_ =	shalt  }
0x70: {  	_ =	shalt  }
0x71: {  	_ =	shalt  }
0x72: {  	_ =	shalt  }
0x73: {  	_ =	shalt  }
0x74: {  	_ =	shalt  }
0x75: {  	_ =	shalt  }
0x76: {  	_ =	shalt  }
0x77: {  	_ =	shalt  }
0x78: {  	_ =	shalt  }
0x79: {  	_ =	shalt  }
0x7a: {  	_ =	shalt  }
0x7b: {  	_ =	shalt  }
0x7c: {  	_ =	shalt  }
0x7d: {  	_ =	shalt  }
0x7e: {  	_ =	shalt  }
0x7f: {  	_ =	shalt  }
0x80: {  	_ =	shalt  }
0x81: {  	_ =	shalt  }
0x82: {  	_ =	shalt  }
0x83: {  	_ =	shalt  }
0x84: {  	_ =	shalt  }
0x85: {  	_ =	shalt  }
0x86: {  	_ =	shalt  }
0x87: {  	_ =	shalt  }
.Lfunc_end0:
.L_simem_size_0:
called_computation.1_lowered:
.L_overlay_start_0:
0x88: {  	s2 =	sld [smem:$0x3FD9]  }
0x89: {  	s3 =	sld [smem:$0x3FFE];
	_ =	sdelay $0x1  }
0x8a: {  	s1 =	srdreg.scid  }
0x8b: {  	s0 =	sand.u32 $0x1, s1  }
0x8c: {  	s17 =	sshll.u32 s0, $0xA;
	s2 =	sadd.s32 s3, s2  }
0x8d: {  	s2 =	sadd.s32 s2, s17  }
0x8e: {  	[smem:$0x3FC2] =	sst s2  }
0x8f: {  	_ = 	snop  }
0x90: {  	s2 =	sld [smem:$0x3FD0];
	(tm) =	ssettm $0x1  }
0x91: {  	s18 =	sld [smem:$0x3FFB];
	_ =	sdelay $0x3  }
0x92: {  	_ =	strace s18  }
0x93: {  	s3 =	sld [smem:$0x3FFC];
	_ =	sdelay $0x3  }
0x94: {  	_ =	strace s3  }
0x95: {  	s3 =	sld [smem:$0x3FFD];
	_ =	sdelay $0x3  }
0x96: {  	_ =	strace s3  }
0x97: {  	_ =	strace $0x8FFFFFFF  }
0x98: {  	s19 =	sld [smem:$0x3FDB];
	_ =	sdelay $0x1  }
0x99: {  	s4 =	simm.s32 $_scs_section_size  }
0x9a: {  	s5 =	simm.s32 $_size__tile_overlayer_lowered;
	s6 =	simm.s32 $_tile_overlayer_lowered  }
0x9b: {  	s22 =	simm.s32 $0x1BFF;
	s21 =	sshll.u32 s6, $0x1;
	s3 =	sadd.s32 s4, s19  }
0x9c: {  	s7 =	simm.s32 $0x0;
	s20 =	sshll.u32 s5, $0x1;
	s5 =	sadd.s32 s21, s3  }
0x9d: {  	[timem:s7], [sflag:s22] =	dma.local [hbm:s5], s20  }
0x9e: {  	_ =	swait.ge [sflag:s22], s20  }
0x9f: {  	s4 =	ssub.s32 $0x0, s20;
	[sflag:s22] =	ssyncset.done $0x0  }
0xa0: {  	[sflag:s22] =	ssyncadd.s32 s4;
	_ =	sdelay $0x1  }
0xa1: {  	s23 =	simm.s32 $0x1B8B  }
0xa2: {  	_ =	swait.ge [sflag:s23], $0x1  }
0xa3: {  	[sflag:s23] =	ssyncset.done $0x0  }
0xa4: {  	s25 =	simm.s32 $0x1B8E;
	s24 =	sld [smem:$0x3FFE];
	[sflag:s23] =	ssyncadd.s32 $0xFFFFFFFF  }
0xa5: {  	s26 =	simm.s32 $execute0_lowered;
	[smem:$0x3FD2] =	sst s25  }
0xa6: {  	s5 =	sshll.u32 s26, $0x1;
	_ =	strace $0x80000049;
	[dreg:$0x1] =	wrdreg $0xFFFFFFFF  }
0xa7: {  	s28 =	simm.s32 $_size_execute0_lowered;
	s3 =	sadd.s32 s3, s5;
	[dreg:$0x0] =	wrdreg $0x0  }
0xa8: {  	s5 =	sshll.u32 s28, $0x1;
	[dreg:$0x2] =	wrdreg s3  }
0xa9: {  	[dreg:$0x3] =	wrdreg s5  }
0xaa: {  	[dreg:$0x4] =	wrdreg $0xC0  }
0xab: {  	_ =	task [dreg:s7], $0x5FFFF  }
0xac: {  	[dreg:$0x1] =	wrdreg $0xFFFFFFFF  }
0xad: {  	[dreg:$0x0] =	wrdreg $0x60  }
0xae: {  	[dreg:$0x2] =	wrdreg s24  }
0xaf: {  	[dreg:$0x3] =	wrdreg s2  }
0xb0: {  	[dreg:$0x4] =	wrdreg $0xE0000  }
0xb1: {  	[dreg:$0x5] =	wrdreg $0x9  }
0xb2: {  	_ =	task.clear_ibuf [dreg:s7], $0x6FFFF;
	_ =	strace $0x90000049  }
0xb3: {  	s29 =	simm.s32 $0x9;
	_ =	strace $0x8000004B  }
0xb4: {  	_ =	swait.ge [sflag:s29], $0x1  }
0xb5: {  	[sflag:s29] =	ssyncadd.s32 $0xFFFFFFFF  }
0xb6: {  	_ =	strace $0x9000004B  }
0xb7: {  	_ =	sfence  }
0xb8: {  	s30 =	sld [smem:$0x0];
	_ =	sdelay $0x2  }
0xb9: {  	s31 =	sshll.u32 s1, $0xD;
	s1 =	sshrl.u32 s1, $0x2  }
0xba: {  	s3 =	sand.u32 $0x4000, s31;
	s1 =	sadd.s32 s1, s30  }
0xbb: {  	s0 =	sor.u32 s3, s0;
	s1 =	sshll.u32 s1, $0x11  }
0xbc: {  	s0 =	sor.u32 s1, s0  }
0xbd: {  	s0 =	sadd.s32 $0x8F2B, s0  }
0xbe: {  	[sflag:s0] =	ssyncadd.remote.s32 $0x1  }
0xbf: {  	_ =	sfence.sel $0xFFFF  }
0xc0: {  	[dreg:$0x0] =	wrdreg $0xFFFFFFFF;
	(pc) =	sbr.abs _section_cstart, $3  }
0xc1: {  	[dreg:$0x1] =	wrdreg $0xFFFFFFFF  }
0xc2: {  	_ =	task.clear_ibuf [dreg:s7], $0x2FFFF;
	_ =	strace $0x9FFFFFFF  }
0xc3: {  	(tm) =	ssettm $0x7FFFFFFF  }
tec
execute0_lowered:
.L_overlay_start_1:
0x0: {  	(tag) =	ssettag $0x1  }
0x1: {  	s0 =	rddreg [dreg:$0x0]  }
0x2: {  	s1 =	rddreg [dreg:$0x1]  }
0x3: {  	s2 =	rddreg [dreg:$0x2];
	s3 =	srdreg.scid  }
0x4: {  	s9 =	stileid.u32;
	s19 =	simm.s32 $0xD000;
	s20 =	simm.s32 $0x6  }
0x5: {  	s22 =	simm.s32 $0x5;
	s29 =	simm.s32 $0x9000;
	s31 =	simm.s32 $0xB000  }
0x6: {  	s21 =	simm.s32 $0x3;
	s5 =	sand.u32 $0x1, s3;
	s8 =	smul.u32 $0x14000, s9  }
0x7: {  	s3 =	simm.s32 $0x0;
	s4 =	sshll.u32 s9, $0x1;
	s9 =	smul.u32 $0x28000, s9  }
0x8: {  	s28 =	simm.s32 $0x4;
	s6 =	smul.u32 $0x140000, s5;
	[smem:$0x7FF] =	sst s3  }
0x9: {  	s7 =	sor.u32 s5, s4;
	s4 =	sadd.s32 $0xBC00, s0;
	s5 =	ssub.s32 $0x2, s5  }
0xa: {  	_ =	strace $0x8000004A;
	s7 =	smul.u32 $0x500, s7;
	s11 =	sshrl.u32 s5, $0x1  }
0xb: {  	s24 =	sshrl.u32 s9, $0x2;
	s26 =	sshrl.u32 s8, $0x1;
	s6 =	sadd.s32 s8, s6  }
0xc: {  	s23 =	ssub.s32 s5, s11;
	s5 =	sadd.s32 s24, s2;
	s30 =	sadd.s32 s26, s2  }
0xd: {  	s24 =	simm.s32 $0x5000;
	s26 =	simm.s32 $0x7000;
	s10 =	sadd.s32 s7, s0  }
0xe: {  	s6 =	sshrl.u32 s6, $0x4;
	s1 =	sadd.s32 s1, s7;
	s9 =	smax.u32 s23, $0x1  }
0xf: {  	s11 =	sadd.s32 $0x2000, s5;
	s12 =	sadd.s32 $0x3000, s5;
	s13 =	sadd.s32 $0x4000, s5  }
0x10: {  	s14 =	sadd.s32 $0x5000, s5;
	s15 =	sadd.s32 $0x6000, s5;
	s16 =	sadd.s32 $0x7000, s5  }
0x11: {  	s17 =	sadd.s32 $0x8000, s5;
	s18 =	sadd.s32 $0x9000, s5;
	s23 =	simm.s32 $0x80  }
0x12: {  	s0 =	sadd.s32 s6, s0;
	s25 =	sadd.s32 $0x1C00, s10;
	[dreg:$0x5] =	wrdreg s1  }
0x13: {  	s10 =	sadd.s32 $0x1000, s5;
	s1 =	simm.s32 $0x2;
	[dreg:$0x4] =	wrdreg s25  }
0x14: {  	v0 =	vimm.bf16 $0.0e+00;
	s8 =	sadd.s32 $0x1FC00, s0;
	s25 =	sshrl.u32 s30, $0x3;
	s0 =	simm.s32 $0x1  }
.LBB2_1:
0x15: {  	s30 =	simm.s32 $0x100;
	s6 =	simm.s32 $0x0  }
.LBB2_2:
0x16: {  	p0 =	sne.s32 s30, $0x3F00;
	[tilespmem:s6+$0xD030] =	vst v0;
	s7 =	smov.u32 s30;
	s30 =	sadd.s32 $0x100, s30  }
.Ltmp0:
0x17: {  	[tilespmem:s6+$0xD020] =	vst v0;
	(pc) =	sbr.rel @p0 .LBB2_2-.Ltmp0, $3  }
0x18: {  	[tilespmem:s6+$0xD000] =	vst v0  }
0x19: {  	[tilespmem:s6+$0xD010] =	vst v0;
	_ =	sdelay $0x1  }
0x1a: {  	s6 =	sshra.s32 s7, $0x2  }
0x1b: {  	[tilespmem:s6+$0xD030] =	vst v0  }
0x1c: {  	[tilespmem:s6+$0xD020] =	vst v0  }
0x1d: {  	[tilespmem:s6+$0xD000] =	vst v0  }
0x1e: {  	[tilespmem:s6+$0xD010] =	vst v0  }
0x1f: {  	[spmem:s5] =	stream.linear.scatter [tilespmem:s19], [sflag:$0x6], $0x1000, $0x38;
	[tilespmem:$0x18000] =	vst v63  }
0x20: {  	_ =	swait.ge [sflag:s20], $0x1000  }
0x21: {  	[sflag:s20] =	ssyncset.done $0x0  }
0x22: {  	[sflag:s20] =	ssyncadd.s32 $0xFFFFF000  }
0x23: {  	[spmem:s10] =	stream.linear.scatter [tilespmem:s19], [sflag:$0x6], $0x1000, $0x38;
	[tilespmem:$0x18000] =	vst v63  }
0x24: {  	_ =	swait.ge [sflag:s20], $0x1000  }
0x25: {  	[sflag:s20] =	ssyncset.done $0x0  }
0x26: {  	[sflag:s20] =	ssyncadd.s32 $0xFFFFF000  }
0x27: {  	[spmem:s11] =	stream.linear.scatter [tilespmem:s19], [sflag:$0x6], $0x1000, $0x38;
	[tilespmem:$0x18000] =	vst v63  }
0x28: {  	_ =	swait.ge [sflag:s20], $0x1000  }
0x29: {  	[sflag:s20] =	ssyncset.done $0x0  }
0x2a: {  	[sflag:s20] =	ssyncadd.s32 $0xFFFFF000  }
0x2b: {  	[spmem:s12] =	stream.linear.scatter [tilespmem:s19], [sflag:$0x6], $0x1000, $0x38;
	[tilespmem:$0x18000] =	vst v63  }
0x2c: {  	_ =	swait.ge [sflag:s20], $0x1000  }
0x2d: {  	[sflag:s20] =	ssyncset.done $0x0  }
0x2e: {  	[sflag:s20] =	ssyncadd.s32 $0xFFFFF000  }
0x2f: {  	[spmem:s13] =	stream.linear.scatter [tilespmem:s19], [sflag:$0x6], $0x1000, $0x38;
	[tilespmem:$0x18000] =	vst v63  }
0x30: {  	_ =	swait.ge [sflag:s20], $0x1000  }
0x31: {  	[sflag:s20] =	ssyncset.done $0x0  }
0x32: {  	[sflag:s20] =	ssyncadd.s32 $0xFFFFF000  }
0x33: {  	[spmem:s14] =	stream.linear.scatter [tilespmem:s19], [sflag:$0x6], $0x1000, $0x38;
	[tilespmem:$0x18000] =	vst v63  }
0x34: {  	_ =	swait.ge [sflag:s20], $0x1000  }
0x35: {  	[sflag:s20] =	ssyncset.done $0x0  }
0x36: {  	[sflag:s20] =	ssyncadd.s32 $0xFFFFF000  }
0x37: {  	[spmem:s15] =	stream.linear.scatter [tilespmem:s19], [sflag:$0x6], $0x1000, $0x38;
	[tilespmem:$0x18000] =	vst v63  }
0x38: {  	_ =	swait.ge [sflag:s20], $0x1000  }
0x39: {  	[sflag:s20] =	ssyncset.done $0x0  }
0x3a: {  	[sflag:s20] =	ssyncadd.s32 $0xFFFFF000  }
0x3b: {  	[spmem:s16] =	stream.linear.scatter [tilespmem:s19], [sflag:$0x6], $0x1000, $0x38;
	[tilespmem:$0x18000] =	vst v63  }
0x3c: {  	_ =	swait.ge [sflag:s20], $0x1000  }
0x3d: {  	[sflag:s20] =	ssyncset.done $0x0  }
0x3e: {  	[sflag:s20] =	ssyncadd.s32 $0xFFFFF000  }
0x3f: {  	[spmem:s17] =	stream.linear.scatter [tilespmem:s19], [sflag:$0x6], $0x1000, $0x38;
	[tilespmem:$0x18000] =	vst v63  }
0x40: {  	_ =	swait.ge [sflag:s20], $0x1000  }
0x41: {  	[sflag:s20] =	ssyncset.done $0x0  }
0x42: {  	[sflag:s20] =	ssyncadd.s32 $0xFFFFF000  }
0x43: {  	[spmem:s18] =	stream.linear.scatter [tilespmem:s19], [sflag:$0x6], $0x1000, $0x38;
	[tilespmem:$0x18000] =	vst v63  }
0x44: {  	_ =	swait.ge [sflag:s20], $0x1000  }
0x45: {  	[sflag:s20] =	ssyncset.done $0x0  }
0x46: {  	s6 =	simm.s32 $0x0;
	s7 =	rddreg [dreg:$0x4];
	[sflag:s20] =	ssyncadd.s32 $0xFFFFF000  }
0x47: {  	[tilespmem:s6], [sflag:$0x5] =	stream.linear.gather [hbm4b:s7+s6], $0x2800, $0x38;
	[tilespmem:$0x18000] =	vst v63  }
0x48: {  	s30 =	simm.s32 $0x2800;
	s7 =	rddreg [dreg:$0x5]  }
0x49: {  	[tilespmem:s30], [sflag:$0x5] =	stream.linear.gather [hbm4b:s7+s6], $0x2800, $0x38;
	[tilespmem:$0x18000] =	vst v63  }
0x4a: {  	_ =	swait.ge [sflag:s22], $0x2800  }
0x4b: {  	[sflag:s22] =	ssyncset.done $0x0  }
0x4c: {  	[sflag:s22] =	ssyncadd.s32 $0xFFFFD800  }
0x4d: {  	_ =	swait.ge [sflag:s22], $0x2800  }
0x4e: {  	[sflag:s22] =	ssyncset.done $0x0  }
0x4f: {  	[sflag:s22] =	ssyncadd.s32 $0xFFFFD800  }
0x50: {  	[bflag:$0x0] =	sbarrier.arrive $0xFFFF  }
0x51: {  	[tilespmem:s24], [sflag:$0x1] =	stream.indirect.gather [hbm4b:s4+s23], $0x40, s6, s23, $0xb8;
	[tilespmem:$0x18000] =	vst v63  }
0x52: {  	_ = 	snop  }
0x53: {  	[tilespmem:s26], [sflag:$0x2] =	stream.indirect.gather [hbm4b:s4+s23], $0x40, s23, s23, $0xb8;
	[tilespmem:$0x18000] =	vst v63  }
0x54: {  	s7 =	simm.s32 $0x100  }
0x55: {  	[tilespmem:s29], [sflag:$0x3] =	stream.indirect.gather [hbm4b:s4+s23], $0x40, s7, s23, $0xb8;
	[tilespmem:$0x18000] =	vst v63  }
0x56: {  	s7 =	simm.s32 $0x180  }
0x57: {  	[tilespmem:s31], [sflag:$0x4] =	stream.indirect.gather [hbm4b:s4+s23], $0x40, s7, s23, $0xb8;
	[tilespmem:$0x18000] =	vst v63  }
0x58: {  	_ =	swait.ge [sflag:s0], $0x2000  }
0x59: {  	[sflag:s0] =	ssyncset.done $0x0  }
0x5a: {  	s7 =	simm.s32 $0x2800;
	[sflag:s0] =	ssyncadd.s32 $0xFFFFE000  }
0x5b: {  	[spmem:s2] =	stream.indirect.scatter.add.bf16 [tilespmem:s24], [sflag:$0x6], $0x40, s7, s23, $0xb8;
	[tilespmem:$0x18000] =	vst v63  }
0x5c: {  	_ =	swait.ge [sflag:s20], $0x2000  }
0x5d: {  	[sflag:s20] =	ssyncset.done $0x0  }
0x5e: {  	s7 =	simm.s32 $0x200;
	[sflag:s20] =	ssyncadd.s32 $0xFFFFE000  }
0x5f: {  	[tilespmem:s24], [sflag:$0x1] =	stream.indirect.gather [hbm4b:s4+s23], $0x40, s7, s23, $0xb8;
	[tilespmem:$0x18000] =	vst v63  }
0x60: {  	_ =	swait.ge [sflag:s1], $0x2000  }
0x61: {  	[sflag:s1] =	ssyncset.done $0x0  }
0x62: {  	s7 =	simm.s32 $0x2880;
	[sflag:s1] =	ssyncadd.s32 $0xFFFFE000  }
0x63: {  	[spmem:s2] =	stream.indirect.scatter.add.bf16 [tilespmem:s26], [sflag:$0x6], $0x40, s7, s23, $0xb8;
	[tilespmem:$0x18000] =	vst v63  }
0x64: {  	_ =	swait.ge [sflag:s20], $0x2000  }
0x65: {  	[sflag:s20] =	ssyncset.done $0x0  }
0x66: {  	s7 =	simm.s32 $0x280;
	[sflag:s20] =	ssyncadd.s32 $0xFFFFE000  }
0x67: {  	[tilespmem:s26], [sflag:$0x2] =	stream.indirect.gather [hbm4b:s4+s23], $0x40, s7, s23, $0xb8;
	[tilespmem:$0x18000] =	vst v63  }
0x68: {  	_ =	swait.ge [sflag:s21], $0x2000  }
0x69: {  	[sflag:s21] =	ssyncset.done $0x0  }
0x6a: {  	s7 =	simm.s32 $0x2900;
	[sflag:s21] =	ssyncadd.s32 $0xFFFFE000  }
0x6b: {  	[spmem:s2] =	stream.indirect.scatter.add.bf16 [tilespmem:s29], [sflag:$0x6], $0x40, s7, s23, $0xb8;
	[tilespmem:$0x18000] =	vst v63  }
0x6c: {  	_ =	swait.ge [sflag:s20], $0x2000  }
0x6d: {  	[sflag:s20] =	ssyncset.done $0x0  }
0x6e: {  	s7 =	simm.s32 $0x300;
	[sflag:s20] =	ssyncadd.s32 $0xFFFFE000  }
0x6f: {  	[tilespmem:s29], [sflag:$0x3] =	stream.indirect.gather [hbm4b:s4+s23], $0x40, s7, s23, $0xb8;
	[tilespmem:$0x18000] =	vst v63  }
0x70: {  	_ =	swait.ge [sflag:s28], $0x2000  }
0x71: {  	[sflag:s28] =	ssyncset.done $0x0  }
0x72: {  	s7 =	simm.s32 $0x2980;
	[sflag:s28] =	ssyncadd.s32 $0xFFFFE000  }
0x73: {  	[spmem:s2] =	stream.indirect.scatter.add.bf16 [tilespmem:s31], [sflag:$0x6], $0x40, s7, s23, $0xb8;
	[tilespmem:$0x18000] =	vst v63  }
0x74: {  	_ =	swait.ge [sflag:s20], $0x2000  }
0x75: {  	[sflag:s20] =	ssyncset.done $0x0  }
0x76: {  	s30 =	simm.s32 $0x800;
	s6 =	simm.s32 $0x380;
	[sflag:s20] =	ssyncadd.s32 $0xFFFFE000  }
.LBB2_4:
0x77: {  	[tilespmem:s31], [sflag:$0x4] =	stream.indirect.gather [hbm4b:s4+s23], $0x40, s6, s23, $0xb8;
	[tilespmem:$0x18000] =	vst v63  }
0x78: {  	s6 =	smov.u32 s30  }
0x79: {  	p0 =	sne.s32 s30, $0x9000;
	s30 =	sadd.s32 $0x800, s30;
	_ =	swait.ge [sflag:s0], $0x2000  }
0x7a: {  	s6 =	sshra.s32 s6, $0x2;
	[sflag:s0] =	ssyncset.done $0x0  }
0x7b: {  	s7 =	sadd.s32 $0x2800, s6;
	[sflag:s0] =	ssyncadd.s32 $0xFFFFE000  }
0x7c: {  	[spmem:s2] =	stream.indirect.scatter.add.bf16 [tilespmem:s24], [sflag:$0x6], $0x40, s7, s23, $0xb8;
	[tilespmem:$0x18000] =	vst v63  }
0x7d: {  	_ =	swait.ge [sflag:s20], $0x2000  }
0x7e: {  	[sflag:s20] =	ssyncset.done $0x0  }
0x7f: {  	s7 =	sadd.s32 $0x200, s6;
	[sflag:s20] =	ssyncadd.s32 $0xFFFFE000  }
0x80: {  	[tilespmem:s24], [sflag:$0x1] =	stream.indirect.gather [hbm4b:s4+s23], $0x40, s7, s23, $0xb8;
	[tilespmem:$0x18000] =	vst v63  }
0x81: {  	_ =	swait.ge [sflag:s1], $0x2000  }
0x82: {  	[sflag:s1] =	ssyncset.done $0x0  }
0x83: {  	s7 =	sadd.s32 $0x2880, s6;
	[sflag:s1] =	ssyncadd.s32 $0xFFFFE000  }
0x84: {  	[spmem:s2] =	stream.indirect.scatter.add.bf16 [tilespmem:s26], [sflag:$0x6], $0x40, s7, s23, $0xb8;
	[tilespmem:$0x18000] =	vst v63  }
0x85: {  	_ =	swait.ge [sflag:s20], $0x2000  }
0x86: {  	[sflag:s20] =	ssyncset.done $0x0  }
0x87: {  	s7 =	sadd.s32 $0x280, s6;
	[sflag:s20] =	ssyncadd.s32 $0xFFFFE000  }
0x88: {  	[tilespmem:s26], [sflag:$0x2] =	stream.indirect.gather [hbm4b:s4+s23], $0x40, s7, s23, $0xb8;
	[tilespmem:$0x18000] =	vst v63  }
0x89: {  	_ =	swait.ge [sflag:s21], $0x2000  }
0x8a: {  	[sflag:s21] =	ssyncset.done $0x0  }
0x8b: {  	s7 =	sadd.s32 $0x2900, s6;
	[sflag:s21] =	ssyncadd.s32 $0xFFFFE000  }
0x8c: {  	[spmem:s2] =	stream.indirect.scatter.add.bf16 [tilespmem:s29], [sflag:$0x6], $0x40, s7, s23, $0xb8;
	[tilespmem:$0x18000] =	vst v63  }
0x8d: {  	_ =	swait.ge [sflag:s20], $0x2000  }
0x8e: {  	[sflag:s20] =	ssyncset.done $0x0  }
0x8f: {  	s7 =	sadd.s32 $0x300, s6;
	[sflag:s20] =	ssyncadd.s32 $0xFFFFE000  }
0x90: {  	[tilespmem:s29], [sflag:$0x3] =	stream.indirect.gather [hbm4b:s4+s23], $0x40, s7, s23, $0xb8;
	[tilespmem:$0x18000] =	vst v63  }
0x91: {  	_ =	swait.ge [sflag:s28], $0x2000  }
0x92: {  	[sflag:s28] =	ssyncset.done $0x0  }
.Ltmp1:
0x93: {  	s7 =	sadd.s32 $0x2980, s6;
	[sflag:s28] =	ssyncadd.s32 $0xFFFFE000;
	(pc) =	sbr.rel @p0 .LBB2_4-.Ltmp1, $4  }
0x94: {  	[spmem:s2] =	stream.indirect.scatter.add.bf16 [tilespmem:s31], [sflag:$0x6], $0x40, s7, s23, $0xb8;
	[tilespmem:$0x18000] =	vst v63  }
0x95: {  	_ =	swait.ge [sflag:s20], $0x2000  }
0x96: {  	[sflag:s20] =	ssyncset.done $0x0  }
0x97: {  	s6 =	sadd.s32 $0x380, s6;
	[sflag:s20] =	ssyncadd.s32 $0xFFFFE000  }
0x98: {  	[tilespmem:s31], [sflag:$0x4] =	stream.indirect.gather [hbm4b:s4+s23], $0x40, s6, s23, $0xb8;
	[tilespmem:$0x18000] =	vst v63  }
0x99: {  	_ =	swait.ge [sflag:s0], $0x2000  }
0x9a: {  	[sflag:s0] =	ssyncset.done $0x0  }
0x9b: {  	s30 =	simm.s32 $0x4E00;
	[sflag:s0] =	ssyncadd.s32 $0xFFFFE000  }
0x9c: {  	[spmem:s2] =	stream.indirect.scatter.add.bf16 [tilespmem:s24], [sflag:$0x6], $0x40, s30, s23, $0xb8;
	[tilespmem:$0x18000] =	vst v63  }
0x9d: {  	_ =	swait.ge [sflag:s20], $0x2000  }
0x9e: {  	[sflag:s20] =	ssyncset.done $0x0  }
0x9f: {  	[sflag:s20] =	ssyncadd.s32 $0xFFFFE000  }
0xa0: {  	_ =	swait.ge [sflag:s1], $0x2000  }
0xa1: {  	[sflag:s1] =	ssyncset.done $0x0  }
0xa2: {  	s7 =	simm.s32 $0x4E80;
	[sflag:s1] =	ssyncadd.s32 $0xFFFFE000  }
0xa3: {  	[spmem:s2] =	stream.indirect.scatter.add.bf16 [tilespmem:s26], [sflag:$0x6], $0x40, s7, s23, $0xb8;
	[tilespmem:$0x18000] =	vst v63  }
0xa4: {  	_ =	swait.ge [sflag:s20], $0x2000  }
0xa5: {  	[sflag:s20] =	ssyncset.done $0x0  }
0xa6: {  	[sflag:s20] =	ssyncadd.s32 $0xFFFFE000  }
0xa7: {  	_ =	swait.ge [sflag:s21], $0x2000  }
0xa8: {  	[sflag:s21] =	ssyncset.done $0x0  }
0xa9: {  	s30 =	simm.s32 $0x4F00;
	[sflag:s21] =	ssyncadd.s32 $0xFFFFE000  }
0xaa: {  	[spmem:s2] =	stream.indirect.scatter.add.bf16 [tilespmem:s29], [sflag:$0x6], $0x40, s30, s23, $0xb8;
	[tilespmem:$0x18000] =	vst v63  }
0xab: {  	_ =	swait.ge [sflag:s20], $0x2000  }
0xac: {  	[sflag:s20] =	ssyncset.done $0x0  }
0xad: {  	[sflag:s20] =	ssyncadd.s32 $0xFFFFE000  }
0xae: {  	_ =	swait.ge [sflag:s28], $0x2000  }
0xaf: {  	[sflag:s28] =	ssyncset.done $0x0  }
0xb0: {  	s7 =	simm.s32 $0x4F80;
	[sflag:s28] =	ssyncadd.s32 $0xFFFFE000  }
0xb1: {  	[spmem:s2] =	stream.indirect.scatter.add.bf16 [tilespmem:s31], [sflag:$0x6], $0x40, s7, s23, $0xb8;
	[tilespmem:$0x18000] =	vst v63  }
0xb2: {  	_ =	swait.ge [sflag:s20], $0x2000  }
0xb3: {  	s3 =	sadd.s32 $0x1, s3;
	s30 =	stileid.u32;
	[sflag:s20] =	ssyncset.done $0x0  }
0xb4: {  	p0 =	sne.s32 s3, s9;
	s6 =	sshll.u32 s30, $0x6;
	[sflag:s20] =	ssyncadd.s32 $0xFFFFE000  }
.Ltmp2:
0xb5: {  	s6 =	sor.u32 $0x1C06, s6;
	[bflag:$0x0] =	sbarrier.arrive $0xFFFF;
	(pc) =	sbr.rel @p0 .LBB2_1-.Ltmp2, $4  }
0xb6: {  	[hbm:s8], [sflag:s6] =	dma.local [spmem:s25], $0x1400  }
0xb7: {  	_ =	swait.ge [sflag:s20], $0x1400  }
0xb8: {  	[sflag:s20] =	ssyncset.done $0x0  }
0xb9: {  	[sflag:s20] =	ssyncadd.s32 $0xFFFFEC00  }
0xba: {  	_ =	sfence.sel $0x180000  }
0xbb: {  	[bflag:$0x0] =	sbarrier.arrive $0xFFFF  }
0xbc: {  	_ =	strace $0x9000004A  }
0xbd: {  	s0 =	stileid.u32;
	[bflag:$0x2] =	sbarrier.arrive $0xFFFF  }
0xbe: {  	p0 =	sne.s32 s0, $0x0;
	s0 =	rddreg [dreg:$0x3]  }
0xbf: {  	s0 =	sadd.s32 @!p0 $0x100000, s0  }
0xc0: {  	[sflag:s0] =	ssyncadd.tile.s32 @!p0 $0x1;
	_ =	shalt  }
.Lfunc_end2:
_tile_overlayer_lowered:
.L_overlay_start_2:
0xc1: {  	(tag) =	ssettag $0x2  }
0xc2: {  	s0 =	rddreg [dreg:$0x0];
	s2 =	stileid.u32  }
0xc3: {  	s1 =	rddreg [dreg:$0x1];
	p0 =	sne.s32 s2, $0x0  }
0xc4: {  	s3 =	rddreg [dreg:$0x2];
	[bflag:$0x3] =	sbarrier.arrive $0xFFFF;
	s2 =	simm.s32 @!p0 $0x1C06  }
0xc5: {  	[timem:s3], [sflag:s2] =	dma.local @!p0 [hbm:s0], s1  }
0xc6: {  	s0 =	simm.s32 @!p0 $0x6  }
0xc7: {  	_ =	swait.ge @!p0 [sflag:s0], s1  }
0xc8: {  	s1 =	ssub.s32 @!p0 $0x0, s1;
	[sflag:s0] =	ssyncset.done @!p0 $0x0  }
0xc9: {  	[sflag:s0] =	ssyncadd.s32 @!p0 s1  }
0xca: {  	[bflag:$0x3] =	sbarrier.arrive $0xFFFF  }
0xcb: {  	_ =	shalt  }

// kernel: kernel.14.cloned.1.call-start
scs
__scs_entry_jumppad:
0x0: {  	(pc) =	sbr.rel $0x88, $3  }
0x1: {  	(tag) =	ssettag $0x0;
	lr =	simm.s32 $0x1  }
0x2: {  	[smem:$0x3F9B] =	sst lr;
	_ =	strace $0xD0000000  }
0x3: {  	_ = 	snop  }
0x4: {  	_ = 	snop  }
0x5: {  	_ = 	snop  }
0x6: {  	_ = 	snop  }
0x7: {  	_ = 	snop  }
__scs_overlays_trampoline_lowered:
0x8: {  	[smem:$0x3FAA] =	sst s0  }
0x9: {  	[smem:$0x3FAB] =	sst s1  }
0xa: {  	[smem:$0x3FAC] =	sst s2  }
0xb: {  	[smem:$0x3FAD] =	sst s3  }
0xc: {  	[smem:$0x3FAE] =	sst s4  }
0xd: {  	[smem:$0x3FAF] =	sst s5  }
0xe: {  	[smem:$0x3FB0] =	sst s6  }
0xf: {  	[smem:$0x3FB1] =	sst s7  }
0x10: {  	[smem:$0x3FB2] =	sst s8  }
0x11: {  	[smem:$0x3FB3] =	sst s9;
	s0 =	simm.s32 @!p0 $0x0  }
0x12: {  	s1 =	sld [smem:$0x3F99];
	s0 =	simm.s32 @p0 $0x1  }
0x13: {  	[smem:$0x3FB4] =	sst s0;
	s0 =	simm.s32 @!p1 $0x0  }
0x14: {  	s2 =	sld [smem:$0x3F98];
	s0 =	simm.s32 @p1 $0x1  }
0x15: {  	[smem:$0x3FB5] =	sst s0;
	s0 =	simm.s32 @!p2 $0x0  }
0x16: {  	s3 =	sld [smem:$0x3FDB];
	s0 =	simm.s32 @p2 $0x1  }
0x17: {  	s4 =	simm.s32 $0x1BF5;
	[smem:$0x3FB7] =	sst s0  }
0x18: {  	s0 =	sld [smem:$0x3F9A];
	_ =	swait.ge [sflag:s4], $0x0  }
0x19: {  	s7 =	sld [smem:$0x3F9B]  }
0x1a: {  	s8 =	sadd.s32 $0xFFFFE003, lr  }
0x1b: {  	s9 =	sadd.s32 $0xFFFFFEF7, lr;
	s5 =	simm.s32 $0xFFFFFFFF;
	p2 =	slt.u32 s8, $0xFFFFF086  }
0x1c: {  	p1 =	slt.u32 s9, $0xF7A;
	s5 =	simm.s32 @!p2 $0x0  }
0x1d: {  	s5 =	simm.s32 @p1 $0x1;
	p0 =	seq.s32 s7, s2  }
0x1e: {  	s7 =	smul.u32 @!p0 $0xF7A, s2;
	p2 =	seq.s32 @!p0 s5, $0x0  }
0x1f: {  	s9 =	smul.u32 $0xF7A, s1;
	s8 =	simm.s32 @!p0 $0x1BF5;
	p2 =	por !p2, p0  }
0x20: {  	[sflag:s8] =	ssyncset.s32 @!p0 $0xFFFFF086;
	s6 =	sadd.s32 @!p0 s3, s7;
	s7 =	simm.s32 @!p0 $0x108  }
0x21: {  	s3 =	sadd.s32 s3, s9;
	s6 =	sadd.s32 @!p0 $0x88, s6;
	s7 =	simm.s32 @p2 $0x1082  }
0x22: {  	[simem:s7], [sflag:s8] =	dma.local @!p0 [hbm:s6], $0xF7A  }
0x23: {  	s9 =	sor.u32 $0xD0000000, s2;
	s6 =	simm.s32 $0x108;
	_ =	swait.ge @!p0 [sflag:s8], $0x0  }
0x24: {  	s3 =	sadd.s32 $0x88, s3;
	s6 =	simm.s32 @!p1 $0x1082;
	[sflag:s4] =	ssyncset.s32 $0xFFFFF086  }
0x25: {  	[simem:s6], [sflag:s4] =	dma.local [hbm:s3], $0xF7A  }
0x26: {  	[smem:$0x3F9B] =	sst s1;
	(tag) =	ssettag s2;
	_ =	strace s9  }
0x27: {  	s1 =	sld [smem:$0x3FAB]  }
0x28: {  	s2 =	sld [smem:$0x3FAC]  }
0x29: {  	s4 =	sld [smem:$0x3FAE]  }
0x2a: {  	p0 =	seq.s32 s5, $0x0;
	s5 =	sld [smem:$0x3FAF]  }
0x2b: {  	s6 =	sld [smem:$0x3FB0]  }
0x2c: {  	s7 =	sld [smem:$0x3FB1]  }
0x2d: {  	s3 =	simm.s32 $0x108;
	s8 =	sld [smem:$0x3FB2]  }
0x2e: {  	s3 =	simm.s32 @!p0 $0x1082;
	s9 =	sld [smem:$0x3FB3]  }
0x2f: {  	lr =	sadd.s32 s0, s3;
	s0 =	sld [smem:$0x3FAA]  }
0x30: {  	s3 =	sld [smem:$0x3FAD]  }
0x31: {  	[smem:$0x3FB6] =	sst s10  }
0x32: {  	s10 =	sld [smem:$0x3FB4];
	_ =	sdelay $0x3  }
0x33: {  	p0 =	seq.s32 s10, $0x1;
	s10 =	sld [smem:$0x3FB6];
	_ =	sdelay $0x3  }
0x34: {  	[smem:$0x3FB6] =	sst s10  }
0x35: {  	s10 =	sld [smem:$0x3FB5];
	_ =	sdelay $0x3  }
0x36: {  	p1 =	seq.s32 s10, $0x1;
	s10 =	sld [smem:$0x3FB6];
	_ =	sdelay $0x3  }
0x37: {  	[smem:$0x3FB6] =	sst s10  }
0x38: {  	s10 =	sld [smem:$0x3FB7]  }
0x39: {  	_ = 	snop;
	(pc) =	sbr.ind lr, $3  }
0x3a: {  	_ = 	snop  }
0x3b: {  	_ = 	snop  }
0x3c: {  	p2 =	seq.s32 s10, $0x1;
	s10 =	sld [smem:$0x3FB6]  }
0x3d: {  	_ =	shalt  }
0x3e: {  	_ =	shalt  }
0x3f: {  	_ =	shalt  }
0x40: {  	_ =	shalt  }
0x41: {  	_ =	shalt  }
0x42: {  	_ =	shalt  }
0x43: {  	_ =	shalt  }
0x44: {  	_ =	shalt  }
0x45: {  	_ =	shalt  }
0x46: {  	_ =	shalt  }
0x47: {  	_ =	shalt  }
0x48: {  	_ =	shalt  }
0x49: {  	_ =	shalt  }
0x4a: {  	_ =	shalt  }
0x4b: {  	_ =	shalt  }
0x4c: {  	_ =	shalt  }
0x4d: {  	_ =	shalt  }
0x4e: {  	_ =	shalt  }
0x4f: {  	_ =	shalt  }
0x50: {  	_ =	shalt  }
0x51: {  	_ =	shalt  }
0x52: {  	_ =	shalt  }
0x53: {  	_ =	shalt  }
0x54: {  	_ =	shalt  }
0x55: {  	_ =	shalt  }
0x56: {  	_ =	shalt  }
0x57: {  	_ =	shalt  }
0x58: {  	_ =	shalt  }
0x59: {  	_ =	shalt  }
0x5a: {  	_ =	shalt  }
0x5b: {  	_ =	shalt  }
0x5c: {  	_ =	shalt  }
0x5d: {  	_ =	shalt  }
0x5e: {  	_ =	shalt  }
0x5f: {  	_ =	shalt  }
0x60: {  	_ =	shalt  }
0x61: {  	_ =	shalt  }
0x62: {  	_ =	shalt  }
0x63: {  	_ =	shalt  }
0x64: {  	_ =	shalt  }
0x65: {  	_ =	shalt  }
0x66: {  	_ =	shalt  }
0x67: {  	_ =	shalt  }
0x68: {  	_ =	shalt  }
0x69: {  	_ =	shalt  }
0x6a: {  	_ =	shalt  }
0x6b: {  	_ =	shalt  }
0x6c: {  	_ =	shalt  }
0x6d: {  	_ =	shalt  }
0x6e: {  	_ =	shalt  }
0x6f: {  	_ =	shalt  }
0x70: {  	_ =	shalt  }
0x71: {  	_ =	shalt  }
0x72: {  	_ =	shalt  }
0x73: {  	_ =	shalt  }
0x74: {  	_ =	shalt  }
0x75: {  	_ =	shalt  }
0x76: {  	_ =	shalt  }
0x77: {  	_ =	shalt  }
0x78: {  	_ =	shalt  }
0x79: {  	_ =	shalt  }
0x7a: {  	_ =	shalt  }
0x7b: {  	_ =	shalt  }
0x7c: {  	_ =	shalt  }
0x7d: {  	_ =	shalt  }
0x7e: {  	_ =	shalt  }
0x7f: {  	_ =	shalt  }
0x80: {  	_ =	shalt  }
0x81: {  	_ =	shalt  }
0x82: {  	_ =	shalt  }
0x83: {  	_ =	shalt  }
0x84: {  	_ =	shalt  }
0x85: {  	_ =	shalt  }
0x86: {  	_ =	shalt  }
0x87: {  	_ =	shalt  }
.Lfunc_end0:
.L_simem_size_0:
called_computation.2_lowered:
.L_overlay_start_0:
0x88: {  	s2 =	sld [smem:$0x3FD9]  }
0x89: {  	s3 =	sld [smem:$0x3FFE];
	_ =	sdelay $0x1  }
0x8a: {  	s1 =	srdreg.scid  }
0x8b: {  	s0 =	sand.u32 $0x1, s1  }
0x8c: {  	s17 =	sshll.u32 s0, $0xA;
	s2 =	sadd.s32 s3, s2  }
0x8d: {  	s2 =	sadd.s32 s2, s17  }
0x8e: {  	[smem:$0x3FC2] =	sst s2  }
0x8f: {  	_ = 	snop  }
0x90: {  	s2 =	sld [smem:$0x3FD0];
	(tm) =	ssettm $0x1  }
0x91: {  	s18 =	sld [smem:$0x3FFB];
	_ =	sdelay $0x3  }
0x92: {  	_ =	strace s18  }
0x93: {  	s3 =	sld [smem:$0x3FFC];
	_ =	sdelay $0x3  }
0x94: {  	_ =	strace s3  }
0x95: {  	s3 =	sld [smem:$0x3FFD];
	_ =	sdelay $0x3  }
0x96: {  	_ =	strace s3  }
0x97: {  	_ =	strace $0x8FFFFFFF  }
0x98: {  	s19 =	sld [smem:$0x3FDB];
	_ =	sdelay $0x1  }
0x99: {  	s4 =	simm.s32 $_scs_section_size  }
0x9a: {  	s5 =	simm.s32 $_size__tile_overlayer_lowered;
	s6 =	simm.s32 $_tile_overlayer_lowered  }
0x9b: {  	s22 =	simm.s32 $0x1BFF;
	s21 =	sshll.u32 s6, $0x1;
	s3 =	sadd.s32 s4, s19  }
0x9c: {  	s7 =	simm.s32 $0x0;
	s20 =	sshll.u32 s5, $0x1;
	s5 =	sadd.s32 s21, s3  }
0x9d: {  	[timem:s7], [sflag:s22] =	dma.local [hbm:s5], s20  }
0x9e: {  	_ =	swait.ge [sflag:s22], s20  }
0x9f: {  	s4 =	ssub.s32 $0x0, s20;
	[sflag:s22] =	ssyncset.done $0x0  }
0xa0: {  	[sflag:s22] =	ssyncadd.s32 s4;
	_ =	sdelay $0x1  }
0xa1: {  	s23 =	simm.s32 $0x1B8B  }
0xa2: {  	_ =	swait.ge [sflag:s23], $0x1  }
0xa3: {  	[sflag:s23] =	ssyncset.done $0x0  }
0xa4: {  	s25 =	simm.s32 $0x1B8E;
	s24 =	sld [smem:$0x3FFE];
	[sflag:s23] =	ssyncadd.s32 $0xFFFFFFFF  }
0xa5: {  	s26 =	simm.s32 $execute0_lowered;
	[smem:$0x3FD2] =	sst s25  }
0xa6: {  	s5 =	sshll.u32 s26, $0x1;
	_ =	strace $0x8000004C;
	[dreg:$0x1] =	wrdreg $0xFFFFFFFF  }
0xa7: {  	s28 =	simm.s32 $_size_execute0_lowered;
	s3 =	sadd.s32 s3, s5;
	[dreg:$0x0] =	wrdreg $0x0  }
0xa8: {  	s5 =	sshll.u32 s28, $0x1;
	[dreg:$0x2] =	wrdreg s3  }
0xa9: {  	[dreg:$0x3] =	wrdreg s5  }
0xaa: {  	[dreg:$0x4] =	wrdreg $0xC0  }
0xab: {  	_ =	task [dreg:s7], $0x5FFFF  }
0xac: {  	[dreg:$0x1] =	wrdreg $0xFFFFFFFF  }
0xad: {  	[dreg:$0x0] =	wrdreg $0x60  }
0xae: {  	[dreg:$0x2] =	wrdreg s24  }
0xaf: {  	[dreg:$0x3] =	wrdreg s2  }
0xb0: {  	[dreg:$0x4] =	wrdreg $0x98000  }
0xb1: {  	[dreg:$0x5] =	wrdreg $0x9  }
0xb2: {  	_ =	task.clear_ibuf [dreg:s7], $0x6FFFF;
	_ =	strace $0x9000004C  }
0xb3: {  	s29 =	simm.s32 $0x9;
	_ =	strace $0x8000004E  }
0xb4: {  	_ =	swait.ge [sflag:s29], $0x1  }
0xb5: {  	[sflag:s29] =	ssyncadd.s32 $0xFFFFFFFF  }
0xb6: {  	_ =	strace $0x9000004E  }
0xb7: {  	_ =	sfence  }
0xb8: {  	s30 =	sld [smem:$0x0];
	_ =	sdelay $0x2  }
0xb9: {  	s31 =	sshll.u32 s1, $0xD;
	s1 =	sshrl.u32 s1, $0x2  }
0xba: {  	s3 =	sand.u32 $0x4000, s31;
	s1 =	sadd.s32 s1, s30  }
0xbb: {  	s0 =	sor.u32 s3, s0;
	s1 =	sshll.u32 s1, $0x11  }
0xbc: {  	s0 =	sor.u32 s1, s0  }
0xbd: {  	s0 =	sadd.s32 $0x8F2B, s0  }
0xbe: {  	[sflag:s0] =	ssyncadd.remote.s32 $0x1  }
0xbf: {  	_ =	sfence.sel $0xFFFF  }
0xc0: {  	[dreg:$0x0] =	wrdreg $0xFFFFFFFF;
	(pc) =	sbr.abs _section_cstart, $3  }
0xc1: {  	[dreg:$0x1] =	wrdreg $0xFFFFFFFF  }
0xc2: {  	_ =	task.clear_ibuf [dreg:s7], $0x2FFFF;
	_ =	strace $0x9FFFFFFF  }
0xc3: {  	(tm) =	ssettm $0x7FFFFFFF  }
tec
execute0_lowered:
.L_overlay_start_1:
0x0: {  	(tag) =	ssettag $0x1  }
0x1: {  	s0 =	rddreg [dreg:$0x0]  }
0x2: {  	s1 =	rddreg [dreg:$0x1]  }
0x3: {  	s2 =	rddreg [dreg:$0x2];
	s3 =	srdreg.scid  }
0x4: {  	s9 =	stileid.u32;
	s19 =	simm.s32 $0x9000;
	s20 =	simm.s32 $0x6  }
0x5: {  	s22 =	simm.s32 $0x5;
	s29 =	simm.s32 $0x7000;
	s31 =	simm.s32 $0x8000  }
0x6: {  	s21 =	simm.s32 $0x3;
	s5 =	sand.u32 $0x1, s3;
	s8 =	smul.u32 $0xA000, s9  }
0x7: {  	s3 =	simm.s32 $0x0;
	s4 =	sshll.u32 s9, $0x1;
	s9 =	smul.u32 $0x14000, s9  }
0x8: {  	s28 =	simm.s32 $0x4;
	s6 =	smul.u32 $0xA0000, s5;
	[smem:$0x7FF] =	sst s3  }
0x9: {  	s7 =	sor.u32 s5, s4;
	s4 =	sadd.s32 $0xBC00, s0;
	s5 =	ssub.s32 $0x2, s5  }
0xa: {  	_ =	strace $0x8000004D;
	s7 =	smul.u32 $0x500, s7;
	s11 =	sshrl.u32 s5, $0x1  }
0xb: {  	s24 =	sshrl.u32 s9, $0x2;
	s26 =	sshrl.u32 s8, $0x1;
	s6 =	sadd.s32 s8, s6  }
0xc: {  	s23 =	ssub.s32 s5, s11;
	s5 =	sadd.s32 s24, s2;
	s30 =	sadd.s32 s26, s2  }
0xd: {  	s24 =	simm.s32 $0x5000;
	s26 =	simm.s32 $0x6000;
	s10 =	sadd.s32 s7, s0  }
0xe: {  	s6 =	sshrl.u32 s6, $0x4;
	s1 =	sadd.s32 s1, s7;
	s9 =	smax.u32 s23, $0x1  }
0xf: {  	s11 =	sadd.s32 $0x1000, s5;
	s12 =	sadd.s32 $0x1800, s5;
	s13 =	sadd.s32 $0x2000, s5  }
0x10: {  	s14 =	sadd.s32 $0x2800, s5;
	s15 =	sadd.s32 $0x3000, s5;
	s16 =	sadd.s32 $0x3800, s5  }
0x11: {  	s17 =	sadd.s32 $0x4000, s5;
	s18 =	sadd.s32 $0x4800, s5;
	s23 =	simm.s32 $0x80  }
0x12: {  	s0 =	sadd.s32 s6, s0;
	s25 =	sadd.s32 $0x1C00, s10;
	[dreg:$0x5] =	wrdreg s1  }
0x13: {  	s10 =	sadd.s32 $0x800, s5;
	s1 =	simm.s32 $0x2;
	[dreg:$0x4] =	wrdreg s25  }
0x14: {  	v0 =	vimm.bf16 $0.0e+00;
	s8 =	sadd.s32 $0x15C00, s0;
	s25 =	sshrl.u32 s30, $0x3;
	s0 =	simm.s32 $0x1  }
.LBB2_1:
0x15: {  	s6 =	simm.s32 $0x80;
	s30 =	simm.s32 $0x0  }
.LBB2_2:
0x16: {  	p0 =	sne.s32 s6, $0x1F80;
	[tilespmem:s30+$0x9000] =	vst v0;
	s7 =	smov.u32 s6;
	s6 =	sadd.s32 $0x80, s6  }
.Ltmp0:
0x17: {  	[tilespmem:s30+$0x9010] =	vst v0;
	(pc) =	sbr.rel @p0 .LBB2_2-.Ltmp0, $2  }
0x18: {  	_ =	sdelay $0x2  }
0x19: {  	s30 =	sshra.s32 s7, $0x2  }
0x1a: {  	[tilespmem:s30+$0x9000] =	vst v0  }
0x1b: {  	[tilespmem:s30+$0x9010] =	vst v0  }
0x1c: {  	[spmem:s5] =	stream.linear.scatter [tilespmem:s19], [sflag:$0x6], $0x800, $0x38;
	[tilespmem:$0xE800] =	vst v63  }
0x1d: {  	_ =	swait.ge [sflag:s20], $0x800  }
0x1e: {  	[sflag:s20] =	ssyncset.done $0x0  }
0x1f: {  	[sflag:s20] =	ssyncadd.s32 $0xFFFFF800  }
0x20: {  	[spmem:s10] =	stream.linear.scatter [tilespmem:s19], [sflag:$0x6], $0x800, $0x38;
	[tilespmem:$0xE800] =	vst v63  }
0x21: {  	_ =	swait.ge [sflag:s20], $0x800  }
0x22: {  	[sflag:s20] =	ssyncset.done $0x0  }
0x23: {  	[sflag:s20] =	ssyncadd.s32 $0xFFFFF800  }
0x24: {  	[spmem:s11] =	stream.linear.scatter [tilespmem:s19], [sflag:$0x6], $0x800, $0x38;
	[tilespmem:$0xE800] =	vst v63  }
0x25: {  	_ =	swait.ge [sflag:s20], $0x800  }
0x26: {  	[sflag:s20] =	ssyncset.done $0x0  }
0x27: {  	[sflag:s20] =	ssyncadd.s32 $0xFFFFF800  }
0x28: {  	[spmem:s12] =	stream.linear.scatter [tilespmem:s19], [sflag:$0x6], $0x800, $0x38;
	[tilespmem:$0xE800] =	vst v63  }
0x29: {  	_ =	swait.ge [sflag:s20], $0x800  }
0x2a: {  	[sflag:s20] =	ssyncset.done $0x0  }
0x2b: {  	[sflag:s20] =	ssyncadd.s32 $0xFFFFF800  }
0x2c: {  	[spmem:s13] =	stream.linear.scatter [tilespmem:s19], [sflag:$0x6], $0x800, $0x38;
	[tilespmem:$0xE800] =	vst v63  }
0x2d: {  	_ =	swait.ge [sflag:s20], $0x800  }
0x2e: {  	[sflag:s20] =	ssyncset.done $0x0  }
0x2f: {  	[sflag:s20] =	ssyncadd.s32 $0xFFFFF800  }
0x30: {  	[spmem:s14] =	stream.linear.scatter [tilespmem:s19], [sflag:$0x6], $0x800, $0x38;
	[tilespmem:$0xE800] =	vst v63  }
0x31: {  	_ =	swait.ge [sflag:s20], $0x800  }
0x32: {  	[sflag:s20] =	ssyncset.done $0x0  }
0x33: {  	[sflag:s20] =	ssyncadd.s32 $0xFFFFF800  }
0x34: {  	[spmem:s15] =	stream.linear.scatter [tilespmem:s19], [sflag:$0x6], $0x800, $0x38;
	[tilespmem:$0xE800] =	vst v63  }
0x35: {  	_ =	swait.ge [sflag:s20], $0x800  }
0x36: {  	[sflag:s20] =	ssyncset.done $0x0  }
0x37: {  	[sflag:s20] =	ssyncadd.s32 $0xFFFFF800  }
0x38: {  	[spmem:s16] =	stream.linear.scatter [tilespmem:s19], [sflag:$0x6], $0x800, $0x38;
	[tilespmem:$0xE800] =	vst v63  }
0x39: {  	_ =	swait.ge [sflag:s20], $0x800  }
0x3a: {  	[sflag:s20] =	ssyncset.done $0x0  }
0x3b: {  	[sflag:s20] =	ssyncadd.s32 $0xFFFFF800  }
0x3c: {  	[spmem:s17] =	stream.linear.scatter [tilespmem:s19], [sflag:$0x6], $0x800, $0x38;
	[tilespmem:$0xE800] =	vst v63  }
0x3d: {  	_ =	swait.ge [sflag:s20], $0x800  }
0x3e: {  	[sflag:s20] =	ssyncset.done $0x0  }
0x3f: {  	[sflag:s20] =	ssyncadd.s32 $0xFFFFF800  }
0x40: {  	[spmem:s18] =	stream.linear.scatter [tilespmem:s19], [sflag:$0x6], $0x800, $0x38;
	[tilespmem:$0xE800] =	vst v63  }
0x41: {  	_ =	swait.ge [sflag:s20], $0x800  }
0x42: {  	[sflag:s20] =	ssyncset.done $0x0  }
0x43: {  	s6 =	simm.s32 $0x0;
	s7 =	rddreg [dreg:$0x4];
	[sflag:s20] =	ssyncadd.s32 $0xFFFFF800  }
0x44: {  	[tilespmem:s6], [sflag:$0x5] =	stream.linear.gather [hbm4b:s7+s6], $0x2800, $0x38;
	[tilespmem:$0xE800] =	vst v63  }
0x45: {  	s30 =	simm.s32 $0x2800;
	s7 =	rddreg [dreg:$0x5]  }
0x46: {  	[tilespmem:s30], [sflag:$0x5] =	stream.linear.gather [hbm4b:s7+s6], $0x2800, $0x38;
	[tilespmem:$0xE800] =	vst v63  }
0x47: {  	_ =	swait.ge [sflag:s22], $0x2800  }
0x48: {  	[sflag:s22] =	ssyncset.done $0x0  }
0x49: {  	[sflag:s22] =	ssyncadd.s32 $0xFFFFD800  }
0x4a: {  	_ =	swait.ge [sflag:s22], $0x2800  }
0x4b: {  	[sflag:s22] =	ssyncset.done $0x0  }
0x4c: {  	[sflag:s22] =	ssyncadd.s32 $0xFFFFD800  }
0x4d: {  	[bflag:$0x0] =	sbarrier.arrive $0xFFFF  }
0x4e: {  	[tilespmem:s24], [sflag:$0x1] =	stream.indirect.gather [hbm4b:s4+s23], $0x20, s6, s23, $0xb8;
	[tilespmem:$0xE800] =	vst v63  }
0x4f: {  	_ = 	snop  }
0x50: {  	[tilespmem:s26], [sflag:$0x2] =	stream.indirect.gather [hbm4b:s4+s23], $0x20, s23, s23, $0xb8;
	[tilespmem:$0xE800] =	vst v63  }
0x51: {  	s7 =	simm.s32 $0x100  }
0x52: {  	[tilespmem:s29], [sflag:$0x3] =	stream.indirect.gather [hbm4b:s4+s23], $0x20, s7, s23, $0xb8;
	[tilespmem:$0xE800] =	vst v63  }
0x53: {  	s7 =	simm.s32 $0x180  }
0x54: {  	[tilespmem:s31], [sflag:$0x4] =	stream.indirect.gather [hbm4b:s4+s23], $0x20, s7, s23, $0xb8;
	[tilespmem:$0xE800] =	vst v63  }
0x55: {  	_ =	swait.ge [sflag:s0], $0x1000  }
0x56: {  	[sflag:s0] =	ssyncset.done $0x0  }
0x57: {  	s7 =	simm.s32 $0x2800;
	[sflag:s0] =	ssyncadd.s32 $0xFFFFF000  }
0x58: {  	[spmem:s2] =	stream.indirect.scatter.add.bf16 [tilespmem:s24], [sflag:$0x6], $0x20, s7, s23, $0xb8;
	[tilespmem:$0xE800] =	vst v63  }
0x59: {  	_ =	swait.ge [sflag:s20], $0x1000  }
0x5a: {  	[sflag:s20] =	ssyncset.done $0x0  }
0x5b: {  	s7 =	simm.s32 $0x200;
	[sflag:s20] =	ssyncadd.s32 $0xFFFFF000  }
0x5c: {  	[tilespmem:s24], [sflag:$0x1] =	stream.indirect.gather [hbm4b:s4+s23], $0x20, s7, s23, $0xb8;
	[tilespmem:$0xE800] =	vst v63  }
0x5d: {  	_ =	swait.ge [sflag:s1], $0x1000  }
0x5e: {  	[sflag:s1] =	ssyncset.done $0x0  }
0x5f: {  	s7 =	simm.s32 $0x2880;
	[sflag:s1] =	ssyncadd.s32 $0xFFFFF000  }
0x60: {  	[spmem:s2] =	stream.indirect.scatter.add.bf16 [tilespmem:s26], [sflag:$0x6], $0x20, s7, s23, $0xb8;
	[tilespmem:$0xE800] =	vst v63  }
0x61: {  	_ =	swait.ge [sflag:s20], $0x1000  }
0x62: {  	[sflag:s20] =	ssyncset.done $0x0  }
0x63: {  	s7 =	simm.s32 $0x280;
	[sflag:s20] =	ssyncadd.s32 $0xFFFFF000  }
0x64: {  	[tilespmem:s26], [sflag:$0x2] =	stream.indirect.gather [hbm4b:s4+s23], $0x20, s7, s23, $0xb8;
	[tilespmem:$0xE800] =	vst v63  }
0x65: {  	_ =	swait.ge [sflag:s21], $0x1000  }
0x66: {  	[sflag:s21] =	ssyncset.done $0x0  }
0x67: {  	s7 =	simm.s32 $0x2900;
	[sflag:s21] =	ssyncadd.s32 $0xFFFFF000  }
0x68: {  	[spmem:s2] =	stream.indirect.scatter.add.bf16 [tilespmem:s29], [sflag:$0x6], $0x20, s7, s23, $0xb8;
	[tilespmem:$0xE800] =	vst v63  }
0x69: {  	_ =	swait.ge [sflag:s20], $0x1000  }
0x6a: {  	[sflag:s20] =	ssyncset.done $0x0  }
0x6b: {  	s7 =	simm.s32 $0x300;
	[sflag:s20] =	ssyncadd.s32 $0xFFFFF000  }
0x6c: {  	[tilespmem:s29], [sflag:$0x3] =	stream.indirect.gather [hbm4b:s4+s23], $0x20, s7, s23, $0xb8;
	[tilespmem:$0xE800] =	vst v63  }
0x6d: {  	_ =	swait.ge [sflag:s28], $0x1000  }
0x6e: {  	[sflag:s28] =	ssyncset.done $0x0  }
0x6f: {  	s7 =	simm.s32 $0x2980;
	[sflag:s28] =	ssyncadd.s32 $0xFFFFF000  }
0x70: {  	[spmem:s2] =	stream.indirect.scatter.add.bf16 [tilespmem:s31], [sflag:$0x6], $0x20, s7, s23, $0xb8;
	[tilespmem:$0xE800] =	vst v63  }
0x71: {  	_ =	swait.ge [sflag:s20], $0x1000  }
0x72: {  	[sflag:s20] =	ssyncset.done $0x0  }
0x73: {  	s30 =	simm.s32 $0x800;
	s6 =	simm.s32 $0x380;
	[sflag:s20] =	ssyncadd.s32 $0xFFFFF000  }
.LBB2_4:
0x74: {  	[tilespmem:s31], [sflag:$0x4] =	stream.indirect.gather [hbm4b:s4+s23], $0x20, s6, s23, $0xb8;
	[tilespmem:$0xE800] =	vst v63  }
0x75: {  	s6 =	smov.u32 s30  }
0x76: {  	p0 =	sne.s32 s30, $0x9000;
	s30 =	sadd.s32 $0x800, s30;
	_ =	swait.ge [sflag:s0], $0x1000  }
0x77: {  	s6 =	sshra.s32 s6, $0x2;
	[sflag:s0] =	ssyncset.done $0x0  }
0x78: {  	s7 =	sadd.s32 $0x2800, s6;
	[sflag:s0] =	ssyncadd.s32 $0xFFFFF000  }
0x79: {  	[spmem:s2] =	stream.indirect.scatter.add.bf16 [tilespmem:s24], [sflag:$0x6], $0x20, s7, s23, $0xb8;
	[tilespmem:$0xE800] =	vst v63  }
0x7a: {  	_ =	swait.ge [sflag:s20], $0x1000  }
0x7b: {  	[sflag:s20] =	ssyncset.done $0x0  }
0x7c: {  	s7 =	sadd.s32 $0x200, s6;
	[sflag:s20] =	ssyncadd.s32 $0xFFFFF000  }
0x7d: {  	[tilespmem:s24], [sflag:$0x1] =	stream.indirect.gather [hbm4b:s4+s23], $0x20, s7, s23, $0xb8;
	[tilespmem:$0xE800] =	vst v63  }
0x7e: {  	_ =	swait.ge [sflag:s1], $0x1000  }
0x7f: {  	[sflag:s1] =	ssyncset.done $0x0  }
0x80: {  	s7 =	sadd.s32 $0x2880, s6;
	[sflag:s1] =	ssyncadd.s32 $0xFFFFF000  }
0x81: {  	[spmem:s2] =	stream.indirect.scatter.add.bf16 [tilespmem:s26], [sflag:$0x6], $0x20, s7, s23, $0xb8;
	[tilespmem:$0xE800] =	vst v63  }
0x82: {  	_ =	swait.ge [sflag:s20], $0x1000  }
0x83: {  	[sflag:s20] =	ssyncset.done $0x0  }
0x84: {  	s7 =	sadd.s32 $0x280, s6;
	[sflag:s20] =	ssyncadd.s32 $0xFFFFF000  }
0x85: {  	[tilespmem:s26], [sflag:$0x2] =	stream.indirect.gather [hbm4b:s4+s23], $0x20, s7, s23, $0xb8;
	[tilespmem:$0xE800] =	vst v63  }
0x86: {  	_ =	swait.ge [sflag:s21], $0x1000  }
0x87: {  	[sflag:s21] =	ssyncset.done $0x0  }
0x88: {  	s7 =	sadd.s32 $0x2900, s6;
	[sflag:s21] =	ssyncadd.s32 $0xFFFFF000  }
0x89: {  	[spmem:s2] =	stream.indirect.scatter.add.bf16 [tilespmem:s29], [sflag:$0x6], $0x20, s7, s23, $0xb8;
	[tilespmem:$0xE800] =	vst v63  }
0x8a: {  	_ =	swait.ge [sflag:s20], $0x1000  }
0x8b: {  	[sflag:s20] =	ssyncset.done $0x0  }
0x8c: {  	s7 =	sadd.s32 $0x300, s6;
	[sflag:s20] =	ssyncadd.s32 $0xFFFFF000  }
0x8d: {  	[tilespmem:s29], [sflag:$0x3] =	stream.indirect.gather [hbm4b:s4+s23], $0x20, s7, s23, $0xb8;
	[tilespmem:$0xE800] =	vst v63  }
0x8e: {  	_ =	swait.ge [sflag:s28], $0x1000  }
0x8f: {  	[sflag:s28] =	ssyncset.done $0x0  }
.Ltmp1:
0x90: {  	s7 =	sadd.s32 $0x2980, s6;
	[sflag:s28] =	ssyncadd.s32 $0xFFFFF000;
	(pc) =	sbr.rel @p0 .LBB2_4-.Ltmp1, $4  }
0x91: {  	[spmem:s2] =	stream.indirect.scatter.add.bf16 [tilespmem:s31], [sflag:$0x6], $0x20, s7, s23, $0xb8;
	[tilespmem:$0xE800] =	vst v63  }
0x92: {  	_ =	swait.ge [sflag:s20], $0x1000  }
0x93: {  	[sflag:s20] =	ssyncset.done $0x0  }
0x94: {  	s6 =	sadd.s32 $0x380, s6;
	[sflag:s20] =	ssyncadd.s32 $0xFFFFF000  }
0x95: {  	[tilespmem:s31], [sflag:$0x4] =	stream.indirect.gather [hbm4b:s4+s23], $0x20, s6, s23, $0xb8;
	[tilespmem:$0xE800] =	vst v63  }
0x96: {  	_ =	swait.ge [sflag:s0], $0x1000  }
0x97: {  	[sflag:s0] =	ssyncset.done $0x0  }
0x98: {  	s30 =	simm.s32 $0x4E00;
	[sflag:s0] =	ssyncadd.s32 $0xFFFFF000  }
0x99: {  	[spmem:s2] =	stream.indirect.scatter.add.bf16 [tilespmem:s24], [sflag:$0x6], $0x20, s30, s23, $0xb8;
	[tilespmem:$0xE800] =	vst v63  }
0x9a: {  	_ =	swait.ge [sflag:s20], $0x1000  }
0x9b: {  	[sflag:s20] =	ssyncset.done $0x0  }
0x9c: {  	[sflag:s20] =	ssyncadd.s32 $0xFFFFF000  }
0x9d: {  	_ =	swait.ge [sflag:s1], $0x1000  }
0x9e: {  	[sflag:s1] =	ssyncset.done $0x0  }
0x9f: {  	s7 =	simm.s32 $0x4E80;
	[sflag:s1] =	ssyncadd.s32 $0xFFFFF000  }
0xa0: {  	[spmem:s2] =	stream.indirect.scatter.add.bf16 [tilespmem:s26], [sflag:$0x6], $0x20, s7, s23, $0xb8;
	[tilespmem:$0xE800] =	vst v63  }
0xa1: {  	_ =	swait.ge [sflag:s20], $0x1000  }
0xa2: {  	[sflag:s20] =	ssyncset.done $0x0  }
0xa3: {  	[sflag:s20] =	ssyncadd.s32 $0xFFFFF000  }
0xa4: {  	_ =	swait.ge [sflag:s21], $0x1000  }
0xa5: {  	[sflag:s21] =	ssyncset.done $0x0  }
0xa6: {  	s30 =	simm.s32 $0x4F00;
	[sflag:s21] =	ssyncadd.s32 $0xFFFFF000  }
0xa7: {  	[spmem:s2] =	stream.indirect.scatter.add.bf16 [tilespmem:s29], [sflag:$0x6], $0x20, s30, s23, $0xb8;
	[tilespmem:$0xE800] =	vst v63  }
0xa8: {  	_ =	swait.ge [sflag:s20], $0x1000  }
0xa9: {  	[sflag:s20] =	ssyncset.done $0x0  }
0xaa: {  	[sflag:s20] =	ssyncadd.s32 $0xFFFFF000  }
0xab: {  	_ =	swait.ge [sflag:s28], $0x1000  }
0xac: {  	[sflag:s28] =	ssyncset.done $0x0  }
0xad: {  	s7 =	simm.s32 $0x4F80;
	[sflag:s28] =	ssyncadd.s32 $0xFFFFF000  }
0xae: {  	[spmem:s2] =	stream.indirect.scatter.add.bf16 [tilespmem:s31], [sflag:$0x6], $0x20, s7, s23, $0xb8;
	[tilespmem:$0xE800] =	vst v63  }
0xaf: {  	_ =	swait.ge [sflag:s20], $0x1000  }
0xb0: {  	s3 =	sadd.s32 $0x1, s3;
	s30 =	stileid.u32;
	[sflag:s20] =	ssyncset.done $0x0  }
0xb1: {  	p0 =	sne.s32 s3, s9;
	s6 =	sshll.u32 s30, $0x6;
	[sflag:s20] =	ssyncadd.s32 $0xFFFFF000  }
.Ltmp2:
0xb2: {  	s6 =	sor.u32 $0x1C06, s6;
	[bflag:$0x0] =	sbarrier.arrive $0xFFFF;
	(pc) =	sbr.rel @p0 .LBB2_1-.Ltmp2, $4  }
0xb3: {  	[hbm:s8], [sflag:s6] =	dma.local [spmem:s25], $0xA00  }
0xb4: {  	_ =	swait.ge [sflag:s20], $0xA00  }
0xb5: {  	[sflag:s20] =	ssyncset.done $0x0  }
0xb6: {  	[sflag:s20] =	ssyncadd.s32 $0xFFFFF600  }
0xb7: {  	_ =	sfence.sel $0x180000  }
0xb8: {  	[bflag:$0x0] =	sbarrier.arrive $0xFFFF  }
0xb9: {  	_ =	strace $0x9000004D  }
0xba: {  	s0 =	stileid.u32;
	[bflag:$0x2] =	sbarrier.arrive $0xFFFF  }
0xbb: {  	p0 =	sne.s32 s0, $0x0;
	s0 =	rddreg [dreg:$0x3]  }
0xbc: {  	s0 =	sadd.s32 @!p0 $0x100000, s0  }
0xbd: {  	[sflag:s0] =	ssyncadd.tile.s32 @!p0 $0x1;
	_ =	shalt  }
.Lfunc_end2:
_tile_overlayer_lowered:
.L_overlay_start_2:
0xbe: {  	(tag) =	ssettag $0x2  }
0xbf: {  	s0 =	rddreg [dreg:$0x0];
	s2 =	stileid.u32  }
0xc0: {  	s1 =	rddreg [dreg:$0x1];
	p0 =	sne.s32 s2, $0x0  }
0xc1: {  	s3 =	rddreg [dreg:$0x2];
	[bflag:$0x3] =	sbarrier.arrive $0xFFFF;
	s2 =	simm.s32 @!p0 $0x1C06  }
0xc2: {  	[timem:s3], [sflag:s2] =	dma.local @!p0 [hbm:s0], s1  }
0xc3: {  	s0 =	simm.s32 @!p0 $0x6  }
0xc4: {  	_ =	swait.ge @!p0 [sflag:s0], s1  }
0xc5: {  	s1 =	ssub.s32 @!p0 $0x0, s1;
	[sflag:s0] =	ssyncset.done @!p0 $0x0  }
0xc6: {  	[sflag:s0] =	ssyncadd.s32 @!p0 s1  }
0xc7: {  	[bflag:$0x3] =	sbarrier.arrive $0xFFFF  }
0xc8: {  	_ =	shalt  }

// kernel: kernel.8.cloned.1.call-start
scs
__scs_entry_jumppad:
0x0: {  	(pc) =	sbr.rel $0x88, $3  }
0x1: {  	(tag) =	ssettag $0x0;
	lr =	simm.s32 $0x1  }
0x2: {  	[smem:$0x3F9B] =	sst lr;
	_ =	strace $0xD0000000  }
0x3: {  	_ = 	snop  }
0x4: {  	_ = 	snop  }
0x5: {  	_ = 	snop  }
0x6: {  	_ = 	snop  }
0x7: {  	_ = 	snop  }
__scs_overlays_trampoline_lowered:
0x8: {  	[smem:$0x3FAA] =	sst s0  }
0x9: {  	[smem:$0x3FAB] =	sst s1  }
0xa: {  	[smem:$0x3FAC] =	sst s2  }
0xb: {  	[smem:$0x3FAD] =	sst s3  }
0xc: {  	[smem:$0x3FAE] =	sst s4  }
0xd: {  	[smem:$0x3FAF] =	sst s5  }
0xe: {  	[smem:$0x3FB0] =	sst s6  }
0xf: {  	[smem:$0x3FB1] =	sst s7  }
0x10: {  	[smem:$0x3FB2] =	sst s8  }
0x11: {  	[smem:$0x3FB3] =	sst s9;
	s0 =	simm.s32 @!p0 $0x0  }
0x12: {  	s1 =	sld [smem:$0x3F99];
	s0 =	simm.s32 @p0 $0x1  }
0x13: {  	[smem:$0x3FB4] =	sst s0;
	s0 =	simm.s32 @!p1 $0x0  }
0x14: {  	s2 =	sld [smem:$0x3F98];
	s0 =	simm.s32 @p1 $0x1  }
0x15: {  	[smem:$0x3FB5] =	sst s0;
	s0 =	simm.s32 @!p2 $0x0  }
0x16: {  	s3 =	sld [smem:$0x3FDB];
	s0 =	simm.s32 @p2 $0x1  }
0x17: {  	s4 =	simm.s32 $0x1BF5;
	[smem:$0x3FB7] =	sst s0  }
0x18: {  	s0 =	sld [smem:$0x3F9A];
	_ =	swait.ge [sflag:s4], $0x0  }
0x19: {  	s7 =	sld [smem:$0x3F9B]  }
0x1a: {  	s8 =	sadd.s32 $0xFFFFE003, lr  }
0x1b: {  	s9 =	sadd.s32 $0xFFFFFEF7, lr;
	s5 =	simm.s32 $0xFFFFFFFF;
	p2 =	slt.u32 s8, $0xFFFFF086  }
0x1c: {  	p1 =	slt.u32 s9, $0xF7A;
	s5 =	simm.s32 @!p2 $0x0  }
0x1d: {  	s5 =	simm.s32 @p1 $0x1;
	p0 =	seq.s32 s7, s2  }
0x1e: {  	s7 =	smul.u32 @!p0 $0xF7A, s2;
	p2 =	seq.s32 @!p0 s5, $0x0  }
0x1f: {  	s9 =	smul.u32 $0xF7A, s1;
	s8 =	simm.s32 @!p0 $0x1BF5;
	p2 =	por !p2, p0  }
0x20: {  	[sflag:s8] =	ssyncset.s32 @!p0 $0xFFFFF086;
	s6 =	sadd.s32 @!p0 s3, s7;
	s7 =	simm.s32 @!p0 $0x108  }
0x21: {  	s3 =	sadd.s32 s3, s9;
	s6 =	sadd.s32 @!p0 $0x88, s6;
	s7 =	simm.s32 @p2 $0x1082  }
0x22: {  	[simem:s7], [sflag:s8] =	dma.local @!p0 [hbm:s6], $0xF7A  }
0x23: {  	s9 =	sor.u32 $0xD0000000, s2;
	s6 =	simm.s32 $0x108;
	_ =	swait.ge @!p0 [sflag:s8], $0x0  }
0x24: {  	s3 =	sadd.s32 $0x88, s3;
	s6 =	simm.s32 @!p1 $0x1082;
	[sflag:s4] =	ssyncset.s32 $0xFFFFF086  }
0x25: {  	[simem:s6], [sflag:s4] =	dma.local [hbm:s3], $0xF7A  }
0x26: {  	[smem:$0x3F9B] =	sst s1;
	(tag) =	ssettag s2;
	_ =	strace s9  }
0x27: {  	s1 =	sld [smem:$0x3FAB]  }
0x28: {  	s2 =	sld [smem:$0x3FAC]  }
0x29: {  	s4 =	sld [smem:$0x3FAE]  }
0x2a: {  	p0 =	seq.s32 s5, $0x0;
	s5 =	sld [smem:$0x3FAF]  }
0x2b: {  	s6 =	sld [smem:$0x3FB0]  }
0x2c: {  	s7 =	sld [smem:$0x3FB1]  }
0x2d: {  	s3 =	simm.s32 $0x108;
	s8 =	sld [smem:$0x3FB2]  }
0x2e: {  	s3 =	simm.s32 @!p0 $0x1082;
	s9 =	sld [smem:$0x3FB3]  }
0x2f: {  	lr =	sadd.s32 s0, s3;
	s0 =	sld [smem:$0x3FAA]  }
0x30: {  	s3 =	sld [smem:$0x3FAD]  }
0x31: {  	[smem:$0x3FB6] =	sst s10  }
0x32: {  	s10 =	sld [smem:$0x3FB4];
	_ =	sdelay $0x3  }
0x33: {  	p0 =	seq.s32 s10, $0x1;
	s10 =	sld [smem:$0x3FB6];
	_ =	sdelay $0x3  }
0x34: {  	[smem:$0x3FB6] =	sst s10  }
0x35: {  	s10 =	sld [smem:$0x3FB5];
	_ =	sdelay $0x3  }
0x36: {  	p1 =	seq.s32 s10, $0x1;
	s10 =	sld [smem:$0x3FB6];
	_ =	sdelay $0x3  }
0x37: {  	[smem:$0x3FB6] =	sst s10  }
0x38: {  	s10 =	sld [smem:$0x3FB7]  }
0x39: {  	_ = 	snop;
	(pc) =	sbr.ind lr, $3  }
0x3a: {  	_ = 	snop  }
0x3b: {  	_ = 	snop  }
0x3c: {  	p2 =	seq.s32 s10, $0x1;
	s10 =	sld [smem:$0x3FB6]  }
0x3d: {  	_ =	shalt  }
0x3e: {  	_ =	shalt  }
0x3f: {  	_ =	shalt  }
0x40: {  	_ =	shalt  }
0x41: {  	_ =	shalt  }
0x42: {  	_ =	shalt  }
0x43: {  	_ =	shalt  }
0x44: {  	_ =	shalt  }
0x45: {  	_ =	shalt  }
0x46: {  	_ =	shalt  }
0x47: {  	_ =	shalt  }
0x48: {  	_ =	shalt  }
0x49: {  	_ =	shalt  }
0x4a: {  	_ =	shalt  }
0x4b: {  	_ =	shalt  }
0x4c: {  	_ =	shalt  }
0x4d: {  	_ =	shalt  }
0x4e: {  	_ =	shalt  }
0x4f: {  	_ =	shalt  }
0x50: {  	_ =	shalt  }
0x51: {  	_ =	shalt  }
0x52: {  	_ =	shalt  }
0x53: {  	_ =	shalt  }
0x54: {  	_ =	shalt  }
0x55: {  	_ =	shalt  }
0x56: {  	_ =	shalt  }
0x57: {  	_ =	shalt  }
0x58: {  	_ =	shalt  }
0x59: {  	_ =	shalt  }
0x5a: {  	_ =	shalt  }
0x5b: {  	_ =	shalt  }
0x5c: {  	_ =	shalt  }
0x5d: {  	_ =	shalt  }
0x5e: {  	_ =	shalt  }
0x5f: {  	_ =	shalt  }
0x60: {  	_ =	shalt  }
0x61: {  	_ =	shalt  }
0x62: {  	_ =	shalt  }
0x63: {  	_ =	shalt  }
0x64: {  	_ =	shalt  }
0x65: {  	_ =	shalt  }
0x66: {  	_ =	shalt  }
0x67: {  	_ =	shalt  }
0x68: {  	_ =	shalt  }
0x69: {  	_ =	shalt  }
0x6a: {  	_ =	shalt  }
0x6b: {  	_ =	shalt  }
0x6c: {  	_ =	shalt  }
0x6d: {  	_ =	shalt  }
0x6e: {  	_ =	shalt  }
0x6f: {  	_ =	shalt  }
0x70: {  	_ =	shalt  }
0x71: {  	_ =	shalt  }
0x72: {  	_ =	shalt  }
0x73: {  	_ =	shalt  }
0x74: {  	_ =	shalt  }
0x75: {  	_ =	shalt  }
0x76: {  	_ =	shalt  }
0x77: {  	_ =	shalt  }
0x78: {  	_ =	shalt  }
0x79: {  	_ =	shalt  }
0x7a: {  	_ =	shalt  }
0x7b: {  	_ =	shalt  }
0x7c: {  	_ =	shalt  }
0x7d: {  	_ =	shalt  }
0x7e: {  	_ =	shalt  }
0x7f: {  	_ =	shalt  }
0x80: {  	_ =	shalt  }
0x81: {  	_ =	shalt  }
0x82: {  	_ =	shalt  }
0x83: {  	_ =	shalt  }
0x84: {  	_ =	shalt  }
0x85: {  	_ =	shalt  }
0x86: {  	_ =	shalt  }
0x87: {  	_ =	shalt  }
.Lfunc_end0:
.L_simem_size_0:
called_computation_lowered:
.L_overlay_start_0:
0x88: {  	s2 =	sld [smem:$0x3FD9]  }
0x89: {  	s3 =	sld [smem:$0x3FFE];
	_ =	sdelay $0x1  }
0x8a: {  	s1 =	srdreg.scid  }
0x8b: {  	s0 =	sand.u32 $0x1, s1  }
0x8c: {  	s17 =	sshll.u32 s0, $0xA;
	s2 =	sadd.s32 s3, s2  }
0x8d: {  	s2 =	sadd.s32 s2, s17  }
0x8e: {  	[smem:$0x3FC2] =	sst s2  }
0x8f: {  	_ = 	snop  }
0x90: {  	s2 =	sld [smem:$0x3FD0];
	(tm) =	ssettm $0x1  }
0x91: {  	s18 =	sld [smem:$0x3FFB];
	_ =	sdelay $0x3  }
0x92: {  	_ =	strace s18  }
0x93: {  	s3 =	sld [smem:$0x3FFC];
	_ =	sdelay $0x3  }
0x94: {  	_ =	strace s3  }
0x95: {  	s3 =	sld [smem:$0x3FFD];
	_ =	sdelay $0x3  }
0x96: {  	_ =	strace s3  }
0x97: {  	_ =	strace $0x8FFFFFFF  }
0x98: {  	s19 =	sld [smem:$0x3FDB];
	_ =	sdelay $0x1  }
0x99: {  	s4 =	simm.s32 $_scs_section_size  }
0x9a: {  	s5 =	simm.s32 $_size__tile_overlayer_lowered;
	s6 =	simm.s32 $_tile_overlayer_lowered  }
0x9b: {  	s22 =	simm.s32 $0x1BFF;
	s21 =	sshll.u32 s6, $0x1;
	s3 =	sadd.s32 s4, s19  }
0x9c: {  	s7 =	simm.s32 $0x0;
	s20 =	sshll.u32 s5, $0x1;
	s5 =	sadd.s32 s21, s3  }
0x9d: {  	[timem:s7], [sflag:s22] =	dma.local [hbm:s5], s20  }
0x9e: {  	_ =	swait.ge [sflag:s22], s20  }
0x9f: {  	s4 =	ssub.s32 $0x0, s20;
	[sflag:s22] =	ssyncset.done $0x0  }
0xa0: {  	[sflag:s22] =	ssyncadd.s32 s4;
	_ =	sdelay $0x1  }
0xa1: {  	s23 =	simm.s32 $0x1B8B  }
0xa2: {  	_ =	swait.ge [sflag:s23], $0x1  }
0xa3: {  	[sflag:s23] =	ssyncset.done $0x0  }
0xa4: {  	s25 =	simm.s32 $0x1B8E;
	s24 =	sld [smem:$0x3FFE];
	[sflag:s23] =	ssyncadd.s32 $0xFFFFFFFF  }
0xa5: {  	s26 =	simm.s32 $execute0_lowered;
	[smem:$0x3FD2] =	sst s25  }
0xa6: {  	s5 =	sshll.u32 s26, $0x1;
	_ =	strace $0x80000046;
	[dreg:$0x1] =	wrdreg $0xFFFFFFFF  }
0xa7: {  	s28 =	simm.s32 $_size_execute0_lowered;
	s3 =	sadd.s32 s3, s5;
	[dreg:$0x0] =	wrdreg $0x0  }
0xa8: {  	s5 =	sshll.u32 s28, $0x1;
	[dreg:$0x2] =	wrdreg s3  }
0xa9: {  	[dreg:$0x3] =	wrdreg s5  }
0xaa: {  	[dreg:$0x4] =	wrdreg $0xC0  }
0xab: {  	_ =	task [dreg:s7], $0x5FFFF  }
0xac: {  	[dreg:$0x1] =	wrdreg $0xFFFFFFFF  }
0xad: {  	[dreg:$0x0] =	wrdreg $0x60  }
0xae: {  	[dreg:$0x2] =	wrdreg s2  }
0xaf: {  	[dreg:$0x3] =	wrdreg s24  }
0xb0: {  	[dreg:$0x4] =	wrdreg $0x2B000  }
0xb1: {  	[dreg:$0x5] =	wrdreg $0x9  }
0xb2: {  	_ =	task.clear_ibuf [dreg:s7], $0x6FFFF;
	_ =	strace $0x90000046  }
0xb3: {  	s29 =	simm.s32 $0x9;
	_ =	strace $0x80000048  }
0xb4: {  	_ =	swait.ge [sflag:s29], $0x1  }
0xb5: {  	[sflag:s29] =	ssyncadd.s32 $0xFFFFFFFF  }
0xb6: {  	_ =	strace $0x90000048  }
0xb7: {  	_ =	sfence  }
0xb8: {  	s30 =	sld [smem:$0x0];
	_ =	sdelay $0x2  }
0xb9: {  	s31 =	sshll.u32 s1, $0xD;
	s1 =	sshrl.u32 s1, $0x2  }
0xba: {  	s3 =	sand.u32 $0x4000, s31;
	s1 =	sadd.s32 s1, s30  }
0xbb: {  	s0 =	sor.u32 s3, s0;
	s1 =	sshll.u32 s1, $0x11  }
0xbc: {  	s0 =	sor.u32 s1, s0  }
0xbd: {  	s0 =	sadd.s32 $0x8F2B, s0  }
0xbe: {  	[sflag:s0] =	ssyncadd.remote.s32 $0x1  }
0xbf: {  	_ =	sfence.sel $0xFFFF  }
0xc0: {  	[dreg:$0x0] =	wrdreg $0xFFFFFFFF;
	(pc) =	sbr.abs _section_cstart, $3  }
0xc1: {  	[dreg:$0x1] =	wrdreg $0xFFFFFFFF  }
0xc2: {  	_ =	task.clear_ibuf [dreg:s7], $0x2FFFF;
	_ =	strace $0x9FFFFFFF  }
0xc3: {  	(tm) =	ssettm $0x7FFFFFFF  }
tec
execute0_lowered:
.L_overlay_start_1:
0x0: {  	(tag) =	ssettag $0x1  }
0x1: {  	s5 =	rddreg [dreg:$0x0]  }
0x2: {  	s4 =	rddreg [dreg:$0x1]  }
0x3: {  	s2 =	rddreg [dreg:$0x2]  }
0x4: {  	s0 =	rddreg [dreg:$0x3];
	s6 =	srdreg.scid  }
0x5: {  	s1 =	stileid.u32;
	s3 =	simm.s32 $0x0;
	s11 =	simm.s32 $0x80  }
0x6: {  	s12 =	simm.s32 $0x2800;
	s15 =	simm.s32 $0x20;
	s16 =	simm.s32 $0x10  }
0x7: {  	s17 =	simm.s32 $0x0;
	s6 =	sand.u32 $0x1, s6;
	s7 =	smul.u32 $0x500, s1  }
0x8: {  	[smem:$0x7FF] =	sst s3;
	s29 =	sshll.u32 s1, $0x1;
	s30 =	smul.u32 $0xA00, s1  }
0x9: {  	s13 =	sshll.u32 s1, $0x6;
	s8 =	sshll.u32 s6, $0x7;
	_ =	strace $0x80000047  }
0xa: {  	s9 =	ssub.s32 $0x2, s6;
	s6 =	sor.u32 s6, s29;
	s13 =	sor.u32 $0x1C02, s13  }
0xb: {  	s7 =	sor.u32 s8, s7;
	s10 =	sshrl.u32 s9, $0x1;
	s6 =	smul.u32 $0x500, s6  }
0xc: {  	s31 =	sshrl.u32 s30, $0x2;
	s8 =	simm.s32 $0x2880;
	s7 =	sshrl.u32 s7, $0x3  }
0xd: {  	s9 =	ssub.s32 s9, s10;
	s10 =	simm.s32 $0x1;
	s7 =	sadd.s32 s7, s4  }
0xe: {  	s4 =	sadd.s32 s31, s2;
	s5 =	sadd.s32 s5, s6;
	s6 =	sadd.s32 $0x1200, s7  }
0xf: {  	v0 =	vimm.f32 $1.000000000e+00;
	v1 =	vimm.f32 $0.0e+00;
	s7 =	smax.u32 s9, $0x1;
	s9 =	simm.s32 $0x2;
	s14 =	sshrl.u32 s4, $0x3  }
.LBB2_1:
0x10: {  	[tilespmem:$0x2800] =	vst v0  }
0x11: {  	[tilespmem:$0x2810] =	vst v0  }
0x12: {  	[tilespmem:$0x2820] =	vst v0  }
0x13: {  	[tilespmem:$0x2830] =	vst v0  }
0x14: {  	[tilespmem:$0x2840] =	vst v0  }
0x15: {  	[tilespmem:$0x2850] =	vst v0  }
0x16: {  	[tilespmem:$0x2860] =	vst v0  }
0x17: {  	[tilespmem:$0x2870] =	vst v0  }
0x18: {  	[tilespmem:$0x2880] =	vst v1  }
0x19: {  	[tilespmem:$0x2890] =	vst v1  }
0x1a: {  	[tilespmem:$0x28A0] =	vst v1  }
0x1b: {  	[tilespmem:$0x28B0] =	vst v1  }
0x1c: {  	[tilespmem:$0x28C0] =	vst v1  }
0x1d: {  	[tilespmem:$0x28D0] =	vst v1  }
0x1e: {  	[tilespmem:$0x28E0] =	vst v1  }
0x1f: {  	[tilespmem:$0x28F0] =	vst v1  }
0x20: {  	[tilespmem:$0x2900] =	vst v1  }
0x21: {  	[tilespmem:$0x2910] =	vst v1  }
0x22: {  	[tilespmem:$0x2920] =	vst v1  }
0x23: {  	[tilespmem:$0x2930] =	vst v1  }
0x24: {  	[tilespmem:$0x2940] =	vst v1  }
0x25: {  	[tilespmem:$0x2950] =	vst v1  }
0x26: {  	[tilespmem:$0x2960] =	vst v1  }
0x27: {  	[tilespmem:$0x2970] =	vst v1  }
0x28: {  	[tilespmem:$0x2980] =	vst v1  }
0x29: {  	[tilespmem:$0x2990] =	vst v1  }
0x2a: {  	[tilespmem:$0x29A0] =	vst v1  }
0x2b: {  	[tilespmem:$0x29B0] =	vst v1  }
0x2c: {  	[tilespmem:$0x29C0] =	vst v1  }
0x2d: {  	[tilespmem:$0x29D0] =	vst v1  }
0x2e: {  	[tilespmem:$0x29E0] =	vst v1  }
0x2f: {  	[tilespmem:$0x29F0] =	vst v1  }
0x30: {  	[tilespmem:$0x2A00] =	vst v1  }
0x31: {  	[tilespmem:$0x2A10] =	vst v1  }
0x32: {  	[tilespmem:$0x2A20] =	vst v1  }
0x33: {  	[tilespmem:$0x2A30] =	vst v1  }
0x34: {  	[tilespmem:$0x2A40] =	vst v1  }
0x35: {  	[tilespmem:$0x2A50] =	vst v1  }
0x36: {  	[tilespmem:$0x2A60] =	vst v1  }
0x37: {  	[tilespmem:$0x2A70] =	vst v1  }
0x38: {  	[tilespmem:$0x2A80] =	vst v1  }
0x39: {  	[tilespmem:$0x2A90] =	vst v1  }
0x3a: {  	[tilespmem:$0x2AA0] =	vst v1  }
0x3b: {  	[tilespmem:$0x2AB0] =	vst v1  }
0x3c: {  	[tilespmem:$0x2AC0] =	vst v1  }
0x3d: {  	[tilespmem:$0x2AD0] =	vst v1  }
0x3e: {  	[tilespmem:$0x2AE0] =	vst v1  }
0x3f: {  	[tilespmem:$0x2AF0] =	vst v1  }
0x40: {  	[spmem:s4] =	stream.linear.scatter [tilespmem:s8], [sflag:$0x2], $0x280, $0x38;
	[tilespmem:$0x2D80] =	vst v63  }
0x41: {  	_ =	swait.ge [sflag:s9], $0x280  }
0x42: {  	[sflag:s9] =	ssyncset.done $0x0  }
0x43: {  	[sflag:s9] =	ssyncadd.s32 $0xFFFFFD80  }
0x44: {  	[tilespmem:s3], [sflag:$0x1] =	stream.linear.gather [hbm4b:s5+s3], $0x2800, $0x38;
	[tilespmem:$0x2D80] =	vst v63  }
0x45: {  	_ =	swait.ge [sflag:s10], $0x2800  }
0x46: {  	[sflag:s10] =	ssyncset.done $0x0  }
0x47: {  	[sflag:s10] =	ssyncadd.s32 $0xFFFFD800  }
0x48: {  	s18 =	simm.s32 $0x0;
	[bflag:$0x0] =	sbarrier.arrive $0xFFFF  }
0x49: {  	[spmem:s2] =	stream.indirect.scatter.add.f32 [tilespmem:s12], [sflag:$0x2], $0x1, s18, s11, $0xb8;
	[tilespmem:$0x2D80] =	vst v63  }
0x4a: {  	_ =	swait.ge [sflag:s9], $0x80  }
0x4b: {  	s18 =	simm.s32 $0x200;
	[sflag:s9] =	ssyncset.done $0x0  }
.LBB2_2:
0x4c: {  	s19 =	sshra.s32 s18, $0x2;
	[sflag:s9] =	ssyncadd.s32 $0xFFFFFF80;
	p0 =	sne.s32 s18, $0x9E00  }
0x4d: {  	[spmem:s2] =	stream.indirect.scatter.add.f32 [tilespmem:s12], [sflag:$0x2], $0x1, s19, s11, $0xb8;
	[tilespmem:$0x2D80] =	vst v63  }
.Ltmp0:
0x4e: {  	_ = 	snop;
	(pc) =	sbr.rel @p0 .LBB2_2-.Ltmp0, $4  }
0x4f: {  	_ = 	snop  }
0x50: {  	s18 =	sadd.s32 $0x200, s18  }
0x51: {  	_ =	swait.ge [sflag:s9], $0x80  }
0x52: {  	[sflag:s9] =	ssyncset.done $0x0  }
0x53: {  	s17 =	sadd.s32 $0x1, s17  }
0x54: {  	[sflag:s9] =	ssyncadd.s32 $0xFFFFFF80;
	p0 =	sne.s32 s17, s7  }
.Ltmp1:
0x55: {  	[bflag:$0x0] =	sbarrier.arrive $0xFFFF;
	(pc) =	sbr.rel @p0 .LBB2_1-.Ltmp1, $4  }
0x56: {  	[hbm:s6@s15], [sflag:s13] =	dma.strided [spmem:s14@s16], $0x50, s10, $0x10   }
0x57: {  	_ =	swait.ge [sflag:s9], $0x50  }
0x58: {  	[sflag:s9] =	ssyncset.done $0x0  }
0x59: {  	[sflag:s9] =	ssyncadd.s32 $0xFFFFFFB0  }
0x5a: {  	_ =	sfence.sel $0x180000  }
0x5b: {  	[bflag:$0x0] =	sbarrier.arrive $0xFFFF  }
0x5c: {  	p0 =	sne.s32 s1, $0x0;
	_ =	strace $0x90000047  }
0x5d: {  	s0 =	sadd.s32 @!p0 $0x100000, s0;
	[bflag:$0x2] =	sbarrier.arrive $0xFFFF  }
0x5e: {  	[sflag:s0] =	ssyncadd.tile.s32 @!p0 $0x1;
	_ =	shalt  }
.Lfunc_end2:
_tile_overlayer_lowered:
.L_overlay_start_2:
0x5f: {  	(tag) =	ssettag $0x2  }
0x60: {  	s0 =	rddreg [dreg:$0x0];
	s2 =	stileid.u32  }
0x61: {  	s1 =	rddreg [dreg:$0x1];
	p0 =	sne.s32 s2, $0x0  }
0x62: {  	s3 =	rddreg [dreg:$0x2];
	[bflag:$0x3] =	sbarrier.arrive $0xFFFF;
	s2 =	simm.s32 @!p0 $0x1C02  }
0x63: {  	[timem:s3], [sflag:s2] =	dma.local @!p0 [hbm:s0], s1  }
0x64: {  	s0 =	simm.s32 @!p0 $0x2  }
0x65: {  	_ =	swait.ge @!p0 [sflag:s0], s1  }
0x66: {  	s1 =	ssub.s32 @!p0 $0x0, s1;
	[sflag:s0] =	ssyncset.done @!p0 $0x0  }
0x67: {  	[sflag:s0] =	ssyncadd.s32 @!p0 s1  }
0x68: {  	[bflag:$0x3] =	sbarrier.arrive $0xFFFF  }
0x69: {  	_ =	shalt  }

</sc_bundles>
